<compile_context>
chip_gen: v7x
topology: tpu7x:2x2x1
jax: 0.10.2.dev20260603
libtpu: 0.0.44.dev20260713+nightly
codegen_flags: <defaults>
</compile_context>

<pallas_src>
import functools

import jax
import jax.numpy as jnp
from jax import lax
from jax.experimental import pallas as pl
from jax.experimental.pallas import tpu as pltpu
from jax.experimental.pallas import tpu_sc as plsc

N = 10000
D = 128
E = 160000
R = 3
NC = 2
NS = 16
CHUNK = 128
NCH = E // CHUNK
T = NCH // (NC * NS)
XTRA = NCH - NC * NS * T
NP = 10112
ROWS_PER_SUB = NP // NS


def _sc_body(feat_ref, edges_ref, zeros_ref, out_ref, acc,
             gb0, gb1, gb2, si0, si1, si2, di0, di1, di2,
             gs0, gs1, gs2, ss0, ss1, ss2):
    c = lax.axis_index("c")
    s = lax.axis_index("s")
    w = c * NS + s
    start = w * T + jnp.minimum(w, XTRA)
    row0 = s * ROWS_PER_SUB
    gbufs = (gb0, gb1, gb2)
    sidxs = (si0, si1, si2)
    didxs = (di0, di1, di2)
    gsems = (gs0, gs1, gs2)
    ssems = (ss0, ss1, ss2)

    for r in range(R):
        pltpu.sync_copy(zeros_ref, acc.at[pl.ds(row0, ROWS_PER_SUB)])
        plsc.subcore_barrier()

        def idx_load(i, b, r=r):
            eb = (start + i) * CHUNK
            pltpu.sync_copy(edges_ref.at[r, 0, pl.ds(eb, CHUNK)], sidxs[b])
            pltpu.sync_copy(edges_ref.at[r, 1, pl.ds(eb, CHUNK)], didxs[b])

        for b in range(2):
            idx_load(b, b)
            pltpu.async_copy(feat_ref.at[sidxs[b]], gbufs[b], gsems[b])

        @pl.loop(0, T, step=3)
        def _chunks(k):
            for b in range(3):
                j = k + b
                b2 = (b + 2) % 3
                pltpu.make_async_copy(
                    feat_ref.at[sidxs[b]], gbufs[b], gsems[b]).wait()
                pltpu.async_copy(
                    gbufs[b], acc.at[didxs[b]], ssems[b], add=True)

                @pl.when(j + 2 < T)
                def _():
                    @pl.when(j >= 1)
                    def _():
                        pltpu.make_async_copy(
                            gbufs[b2], acc.at[didxs[b2]], ssems[b2]).wait()
                    idx_load(j + 2, b2)
                    pltpu.async_copy(
                        feat_ref.at[sidxs[b2]], gbufs[b2], gsems[b2])

        for b in range(3):
            pltpu.make_async_copy(gbufs[b], acc.at[didxs[b]], ssems[b]).wait()

        @pl.when(w < XTRA)
        def _():
            eb = (start + T) * CHUNK
            pltpu.sync_copy(edges_ref.at[r, 0, pl.ds(eb, CHUNK)], si0)
            pltpu.sync_copy(edges_ref.at[r, 1, pl.ds(eb, CHUNK)], di0)
            pltpu.sync_copy(feat_ref.at[si0], gb0)
            pltpu.sync_copy(gb0, acc.at[di0], add=True)

        plsc.subcore_barrier()

        pltpu.sync_copy(acc.at[pl.ds(row0, ROWS_PER_SUB)],
                        out_ref.at[r * NC + c, pl.ds(row0, ROWS_PER_SUB)])
        plsc.subcore_barrier()


_sc_aggregate = functools.partial(
    pl.kernel,
    out_type=jax.ShapeDtypeStruct((R * NC, NP, D), jnp.float32),
    mesh=plsc.VectorSubcoreMesh(
        core_axis_name="c", subcore_axis_name="s",
        num_cores=NC, num_subcores=NS),
    scratch_types=[
        pltpu.VMEM_SHARED((NP, D), jnp.float32),
        pltpu.VMEM((CHUNK, D), jnp.float32),
        pltpu.VMEM((CHUNK, D), jnp.float32),
        pltpu.VMEM((CHUNK, D), jnp.float32),
        pltpu.VMEM((CHUNK,), jnp.int32),
        pltpu.VMEM((CHUNK,), jnp.int32),
        pltpu.VMEM((CHUNK,), jnp.int32),
        pltpu.VMEM((CHUNK,), jnp.int32),
        pltpu.VMEM((CHUNK,), jnp.int32),
        pltpu.VMEM((CHUNK,), jnp.int32),
        pltpu.SemaphoreType.DMA,
        pltpu.SemaphoreType.DMA,
        pltpu.SemaphoreType.DMA,
        pltpu.SemaphoreType.DMA,
        pltpu.SemaphoreType.DMA,
        pltpu.SemaphoreType.DMA,
    ],
)(_sc_body)


BLK = 2000


def _tc_body(parts_ref, feat_ref, wt_ref, out_ref):
    q0 = parts_ref[0] + parts_ref[1]
    q1 = parts_ref[2] + parts_ref[3]
    q2 = parts_ref[4] + parts_ref[5]
    h = jnp.dot(feat_ref[...], wt_ref[3], preferred_element_type=jnp.float32)
    h = h + jnp.dot(q0, wt_ref[0], preferred_element_type=jnp.float32)
    h = h + jnp.dot(q1, wt_ref[1], preferred_element_type=jnp.float32)
    h = h - jnp.dot(q2, wt_ref[2], preferred_element_type=jnp.float32)
    out_ref[...] = jnp.maximum(h, 0.0)


def _tc_combine(parts, feats, wt):
    return pl.pallas_call(
        _tc_body,
        grid=(N // BLK,),
        in_specs=[
            pl.BlockSpec((R * NC, BLK, D), lambda i: (0, i, 0)),
            pl.BlockSpec((BLK, D), lambda i: (i, 0)),
            pl.BlockSpec((4, D, D), lambda i: (0, 0, 0)),
        ],
        out_specs=pl.BlockSpec((BLK, D), lambda i: (i, 0)),
        out_shape=jax.ShapeDtypeStruct((N, D), jnp.float32),
    )(parts, feats, wt)


def kernel(features, W_r0, W_r1, W_r2, W_self, edge_index_r0, edge_index_r1,
           edge_index_r2):
    edges = jnp.stack([edge_index_r0, edge_index_r1, edge_index_r2])
    zeros = jnp.zeros((ROWS_PER_SUB, D), jnp.float32)
    parts = _sc_aggregate(features, edges, zeros)
    wt = jnp.stack([W_r0.T, W_r1.T, W_r2.T, W_self.T])
    return _tc_combine(parts, features, wt)

# --- scband reference (transcript-rebuilt; emitter-appended) ---
"""Pipeline reference for scband-rgcn-17119739641938 (READ-ONLY COPY).

The authoritative reference and input builder live on the scoring server;
editing this copy changes nothing except your own understanding.
"""

import jax, jax.numpy as jnp
import numpy as np

N = 10000
E = 160000
D_IN = 128
D_OUT = 128


def setup_inputs(seed: int = 0) -> dict:
    key = jax.random.key(seed)
    ks = jax.random.split(key, 8)
    features = jax.random.normal(ks[0], (N, D_IN), dtype=jnp.float32)
    scale = 1.0 / np.sqrt(D_IN)
    W_r0 = jax.random.normal(ks[1], (D_OUT, D_IN), dtype=jnp.float32) * scale
    W_r1 = jax.random.normal(ks[2], (D_OUT, D_IN), dtype=jnp.float32) * scale
    W_r2 = jax.random.normal(ks[3], (D_OUT, D_IN), dtype=jnp.float32) * scale
    W_self = jax.random.normal(ks[4], (D_OUT, D_IN), dtype=jnp.float32) * scale
    edge_index_r0 = jax.random.randint(ks[5], (2, E), 0, N, dtype=jnp.int32)
    edge_index_r1 = jax.random.randint(ks[6], (2, E), 0, N, dtype=jnp.int32)
    edge_index_r2 = jax.random.randint(ks[7], (2, E), 0, N, dtype=jnp.int32)
    return {
        "features": features,
        "W_r0": W_r0,
        "W_r1": W_r1,
        "W_r2": W_r2,
        "W_self": W_self,
        "edge_index_r0": edge_index_r0,
        "edge_index_r1": edge_index_r1,
        "edge_index_r2": edge_index_r2,
    }


def _rel_message_sum(features, W, edge_index):
    # message_func: msg = Linear_rel(edges.src['h']) ; reduce_func: sum over dst
    src = edge_index[0]
    dst = edge_index[1]
    msg = features[src] @ W.T  # gather src features, per-relation linear (no bias)
    n = features.shape[0]
    return jnp.zeros((n, W.shape[0]), dtype=msg.dtype).at[dst].add(msg)


def reference(features, W_r0, W_r1, W_r2, W_self, edge_index_r0, edge_index_r1, edge_index_r2):
    # RGCNLayer.forward: per-relation message passing with sum reduce
    msg_r0 = _rel_message_sum(features, W_r0, edge_index_r0)
    msg_r1 = _rel_message_sum(features, W_r1, edge_index_r1)
    msg_r2 = _rel_message_sum(features, W_r2, edge_index_r2)  # subtract_rel = 'r2'
    aggregated_msg = msg_r0 + msg_r1  # sum over rel != subtract_rel
    final_msg = aggregated_msg - msg_r2
    h_self = features @ W_self.T
    h = final_msg + h_self
    return jax.nn.relu(h)

if __name__ == "__main__":
    import jax
    _d = setup_inputs()
    print(jax.jit(kernel)(*tuple(_d.values())))

</pallas_src>

<mosaic_0001>
#map = affine_map<(d0, d1) -> (0, 0)>
#map1 = affine_map<(d0, d1) -> (0, 0, 0)>
module attributes {stable_mosaic.version = 14 : i64} {
  func.func @_sc_body(%arg0: i32, %arg1: i32, %arg2: memref<10000x128xf32, #tpu.memory_space<hbm>>, %arg3: memref<3x2x160000xi32, #tpu.memory_space<hbm>>, %arg4: memref<632x128xf32, #tpu.memory_space<hbm>>, %arg5: memref<6x10112x128xf32, #tpu.memory_space<hbm>>, %arg6: memref<10112x128xf32, #tpu.memory_space<vmem_shared>>, %arg7: memref<128x128xf32, #tpu.memory_space<vmem>>, %arg8: memref<128x128xf32, #tpu.memory_space<vmem>>, %arg9: memref<128x128xf32, #tpu.memory_space<vmem>>, %arg10: memref<128xi32, #tpu.memory_space<vmem>>, %arg11: memref<128xi32, #tpu.memory_space<vmem>>, %arg12: memref<128xi32, #tpu.memory_space<vmem>>, %arg13: memref<128xi32, #tpu.memory_space<vmem>>, %arg14: memref<128xi32, #tpu.memory_space<vmem>>, %arg15: memref<128xi32, #tpu.memory_space<vmem>>, %arg16: memref<!tpu.dma_semaphore, #tpu.memory_space<semaphore_mem>>, %arg17: memref<!tpu.dma_semaphore, #tpu.memory_space<semaphore_mem>>, %arg18: memref<!tpu.dma_semaphore, #tpu.memory_space<semaphore_mem>>, %arg19: memref<!tpu.dma_semaphore, #tpu.memory_space<semaphore_mem>>, %arg20: memref<!tpu.dma_semaphore, #tpu.memory_space<semaphore_mem>>, %arg21: memref<!tpu.dma_semaphore, #tpu.memory_space<semaphore_mem>>) attributes {dimension_semantics = [#tpu.dimension_semantics<core_parallel>, #tpu.dimension_semantics<subcore_parallel>], iteration_bounds = array<i64: 2, 16>, scalar_prefetch = 0 : i64, scratch_operands = 16 : i64, tpu.core_type = #tpu.core_type<sc_vector_subcore>, window_params = [{transform_indices = #map}, {transform_indices = #map1}, {transform_indices = #map}, {transform_indices = #map1}]} {
    %mul3A = arith.constant 16 : i32
    %mul3A_0 = arith.muli %arg0, %mul3A : i32
    %add3A = arith.addi %mul3A_0, %arg1 : i32
    %mul3A_1 = arith.constant 39 : i32
    %mul3A_2 = arith.muli %add3A, %mul3A_1 : i32
    %min3A = arith.constant 2 : i32
    %min3A_3 = arith.minsi %add3A, %min3A : i32
    %add3A_4 = arith.addi %mul3A_2, %min3A_3 : i32
    %mul3A_5 = arith.constant 632 : i32
    %mul3A_6 = arith.muli %arg1, %mul3A_5 : i32
    "tpu.region"() ({
      %run_scoped3A_137 = tpu.sem_alloc : memref<!tpu.dma_semaphore, #tpu.memory_space<semaphore_mem>>
      %dma_start3A_138 = arith.constant 0 : i32
      %dma_start3A_139 = tpu.memref_slice %arg6[%mul3A_6, %dma_start3A_138] : memref<10112x128xf32, #tpu.memory_space<vmem_shared>> -> memref<632x128xf32, #tpu.memory_space<vmem_shared>>
      tpu.enqueue_dma source(%arg4 : memref<632x128xf32, #tpu.memory_space<hbm>>) target(%dma_start3A_139 : memref<632x128xf32, #tpu.memory_space<vmem_shared>>) target_semaphore(%run_scoped3A_137 : memref<!tpu.dma_semaphore, #tpu.memory_space<semaphore_mem>>)
      %dma_wait3A_140 = arith.constant 0 : i32
      %dma_wait3A_141 = tpu.memref_slice %arg6[%mul3A_6, %dma_wait3A_140] : memref<10112x128xf32, #tpu.memory_space<vmem_shared>> -> memref<632x128xf32, #tpu.memory_space<vmem_shared>>
      tpu.wait_dma2 semaphore(%run_scoped3A_137 : memref<!tpu.dma_semaphore, #tpu.memory_space<semaphore_mem>>) src(%arg4 : memref<632x128xf32, #tpu.memory_space<hbm>>) dst(%dma_wait3A_141 : memref<632x128xf32, #tpu.memory_space<vmem_shared>>)
      tpu.yield
    }) : () -> ()
    %barrier3A = arith.constant 0 : index
    tpu.barrier barrier_id(%barrier3A)
    %add3A_7 = arith.constant 0 : i32
    %add3A_8 = arith.addi %add3A_4, %add3A_7 : i32
    %mul3A_9 = arith.constant 128 : i32
    %mul3A_10 = arith.muli %add3A_8, %mul3A_9 : i32
    %run_scoped3A = arith.constant 0 : i32
    %run_scoped3A_11 = arith.constant 0 : i32
    "tpu.region"() ({
      %run_scoped3A_137 = tpu.sem_alloc : memref<!tpu.dma_semaphore, #tpu.memory_space<semaphore_mem>>
      %dma_start3A_138 = tpu.memref_slice %arg3[%run_scoped3A, %run_scoped3A_11, %mul3A_10] : memref<3x2x160000xi32, #tpu.memory_space<hbm>> -> memref<1x1x128xi32, #tpu.memory_space<hbm>>
      %dma_start3A_139 = tpu.memref_squeeze %dma_start3A_138 : memref<1x1x128xi32, #tpu.memory_space<hbm>> -> memref<128xi32, #tpu.memory_space<hbm>>
      %dma_start3A_140 = tpu.memref_slice %arg3[%run_scoped3A, %run_scoped3A_11, %mul3A_10] : memref<3x2x160000xi32, #tpu.memory_space<hbm>> -> memref<1x1x128xi32, #tpu.memory_space<hbm>>
      %dma_start3A_141 = tpu.memref_squeeze %dma_start3A_140 : memref<1x1x128xi32, #tpu.memory_space<hbm>> -> memref<128xi32, #tpu.memory_space<hbm>>
      tpu.enqueue_dma source(%dma_start3A_141 : memref<128xi32, #tpu.memory_space<hbm>>) target(%arg10 : memref<128xi32, #tpu.memory_space<vmem>>) target_semaphore(%run_scoped3A_137 : memref<!tpu.dma_semaphore, #tpu.memory_space<semaphore_mem>>)
      %dma_wait3A_142 = tpu.memref_slice %arg3[%run_scoped3A, %run_scoped3A_11, %mul3A_10] : memref<3x2x160000xi32, #tpu.memory_space<hbm>> -> memref<1x1x128xi32, #tpu.memory_space<hbm>>
      %dma_wait3A_143 = tpu.memref_squeeze %dma_wait3A_142 : memref<1x1x128xi32, #tpu.memory_space<hbm>> -> memref<128xi32, #tpu.memory_space<hbm>>
      %dma_wait3A_144 = tpu.memref_slice %arg3[%run_scoped3A, %run_scoped3A_11, %mul3A_10] : memref<3x2x160000xi32, #tpu.memory_space<hbm>> -> memref<1x1x128xi32, #tpu.memory_space<hbm>>
      %dma_wait3A_145 = tpu.memref_squeeze %dma_wait3A_144 : memref<1x1x128xi32, #tpu.memory_space<hbm>> -> memref<128xi32, #tpu.memory_space<hbm>>
      tpu.wait_dma2 semaphore(%run_scoped3A_137 : memref<!tpu.dma_semaphore, #tpu.memory_space<semaphore_mem>>) src(%dma_wait3A_145 : memref<128xi32, #tpu.memory_space<hbm>>) dst(%arg10 : memref<128xi32, #tpu.memory_space<vmem>>)
      tpu.yield
    }) : () -> ()
    %run_scoped3A_12 = arith.constant 0 : i32
    %run_scoped3A_13 = arith.constant 1 : i32
    "tpu.region"() ({
      %run_scoped3A_137 = tpu.sem_alloc : memref<!tpu.dma_semaphore, #tpu.memory_space<semaphore_mem>>
      %dma_start3A_138 = tpu.memref_slice %arg3[%run_scoped3A_12, %run_scoped3A_13, %mul3A_10] : memref<3x2x160000xi32, #tpu.memory_space<hbm>> -> memref<1x1x128xi32, #tpu.memory_space<hbm>>
      %dma_start3A_139 = tpu.memref_squeeze %dma_start3A_138 : memref<1x1x128xi32, #tpu.memory_space<hbm>> -> memref<128xi32, #tpu.memory_space<hbm>>
      %dma_start3A_140 = tpu.memref_slice %arg3[%run_scoped3A_12, %run_scoped3A_13, %mul3A_10] : memref<3x2x160000xi32, #tpu.memory_space<hbm>> -> memref<1x1x128xi32, #tpu.memory_space<hbm>>
      %dma_start3A_141 = tpu.memref_squeeze %dma_start3A_140 : memref<1x1x128xi32, #tpu.memory_space<hbm>> -> memref<128xi32, #tpu.memory_space<hbm>>
      tpu.enqueue_dma source(%dma_start3A_141 : memref<128xi32, #tpu.memory_space<hbm>>) target(%arg13 : memref<128xi32, #tpu.memory_space<vmem>>) target_semaphore(%run_scoped3A_137 : memref<!tpu.dma_semaphore, #tpu.memory_space<semaphore_mem>>)
      %dma_wait3A_142 = tpu.memref_slice %arg3[%run_scoped3A_12, %run_scoped3A_13, %mul3A_10] : memref<3x2x160000xi32, #tpu.memory_space<hbm>> -> memref<1x1x128xi32, #tpu.memory_space<hbm>>
      %dma_wait3A_143 = tpu.memref_squeeze %dma_wait3A_142 : memref<1x1x128xi32, #tpu.memory_space<hbm>> -> memref<128xi32, #tpu.memory_space<hbm>>
      %dma_wait3A_144 = tpu.memref_slice %arg3[%run_scoped3A_12, %run_scoped3A_13, %mul3A_10] : memref<3x2x160000xi32, #tpu.memory_space<hbm>> -> memref<1x1x128xi32, #tpu.memory_space<hbm>>
      %dma_wait3A_145 = tpu.memref_squeeze %dma_wait3A_144 : memref<1x1x128xi32, #tpu.memory_space<hbm>> -> memref<128xi32, #tpu.memory_space<hbm>>
      tpu.wait_dma2 semaphore(%run_scoped3A_137 : memref<!tpu.dma_semaphore, #tpu.memory_space<semaphore_mem>>) src(%dma_wait3A_145 : memref<128xi32, #tpu.memory_space<hbm>>) dst(%arg13 : memref<128xi32, #tpu.memory_space<vmem>>)
      tpu.yield
    }) : () -> ()
    %dma_start3A = arith.constant 0 : i32
    %dma_start3A_14 = arith.constant 0 : i32
    %dma_start3A_15 = tpu.memref_slice %arg2[%dma_start3A, %dma_start3A_14] : memref<10000x128xf32, #tpu.memory_space<hbm>> -> memref<10000x128xf32, #tpu.memory_space<hbm>>
    tpu.enqueue_indirect_dma source(%dma_start3A_15 : memref<10000x128xf32, #tpu.memory_space<hbm>>) target(%arg7 : memref<128x128xf32, #tpu.memory_space<vmem>>) offsets(%arg10 : memref<128xi32, #tpu.memory_space<vmem>>) semaphore(%arg16 : memref<!tpu.dma_semaphore, #tpu.memory_space<semaphore_mem>>)
    %add3A_16 = arith.constant 1 : i32
    %add3A_17 = arith.addi %add3A_4, %add3A_16 : i32
    %mul3A_18 = arith.constant 128 : i32
    %mul3A_19 = arith.muli %add3A_17, %mul3A_18 : i32
    %run_scoped3A_20 = arith.constant 0 : i32
    %run_scoped3A_21 = arith.constant 0 : i32
    "tpu.region"() ({
      %run_scoped3A_137 = tpu.sem_alloc : memref<!tpu.dma_semaphore, #tpu.memory_space<semaphore_mem>>
      %dma_start3A_138 = tpu.memref_slice %arg3[%run_scoped3A_20, %run_scoped3A_21, %mul3A_19] : memref<3x2x160000xi32, #tpu.memory_space<hbm>> -> memref<1x1x128xi32, #tpu.memory_space<hbm>>
      %dma_start3A_139 = tpu.memref_squeeze %dma_start3A_138 : memref<1x1x128xi32, #tpu.memory_space<hbm>> -> memref<128xi32, #tpu.memory_space<hbm>>
      %dma_start3A_140 = tpu.memref_slice %arg3[%run_scoped3A_20, %run_scoped3A_21, %mul3A_19] : memref<3x2x160000xi32, #tpu.memory_space<hbm>> -> memref<1x1x128xi32, #tpu.memory_space<hbm>>
      %dma_start3A_141 = tpu.memref_squeeze %dma_start3A_140 : memref<1x1x128xi32, #tpu.memory_space<hbm>> -> memref<128xi32, #tpu.memory_space<hbm>>
      tpu.enqueue_dma source(%dma_start3A_141 : memref<128xi32, #tpu.memory_space<hbm>>) target(%arg11 : memref<128xi32, #tpu.memory_space<vmem>>) target_semaphore(%run_scoped3A_137 : memref<!tpu.dma_semaphore, #tpu.memory_space<semaphore_mem>>)
      %dma_wait3A_142 = tpu.memref_slice %arg3[%run_scoped3A_20, %run_scoped3A_21, %mul3A_19] : memref<3x2x160000xi32, #tpu.memory_space<hbm>> -> memref<1x1x128xi32, #tpu.memory_space<hbm>>
      %dma_wait3A_143 = tpu.memref_squeeze %dma_wait3A_142 : memref<1x1x128xi32, #tpu.memory_space<hbm>> -> memref<128xi32, #tpu.memory_space<hbm>>
      %dma_wait3A_144 = tpu.memref_slice %arg3[%run_scoped3A_20, %run_scoped3A_21, %mul3A_19] : memref<3x2x160000xi32, #tpu.memory_space<hbm>> -> memref<1x1x128xi32, #tpu.memory_space<hbm>>
      %dma_wait3A_145 = tpu.memref_squeeze %dma_wait3A_144 : memref<1x1x128xi32, #tpu.memory_space<hbm>> -> memref<128xi32, #tpu.memory_space<hbm>>
      tpu.wait_dma2 semaphore(%run_scoped3A_137 : memref<!tpu.dma_semaphore, #tpu.memory_space<semaphore_mem>>) src(%dma_wait3A_145 : memref<128xi32, #tpu.memory_space<hbm>>) dst(%arg11 : memref<128xi32, #tpu.memory_space<vmem>>)
      tpu.yield
    }) : () -> ()
    %run_scoped3A_22 = arith.constant 0 : i32
    %run_scoped3A_23 = arith.constant 1 : i32
    "tpu.region"() ({
      %run_scoped3A_137 = tpu.sem_alloc : memref<!tpu.dma_semaphore, #tpu.memory_space<semaphore_mem>>
      %dma_start3A_138 = tpu.memref_slice %arg3[%run_scoped3A_22, %run_scoped3A_23, %mul3A_19] : memref<3x2x160000xi32, #tpu.memory_space<hbm>> -> memref<1x1x128xi32, #tpu.memory_space<hbm>>
      %dma_start3A_139 = tpu.memref_squeeze %dma_start3A_138 : memref<1x1x128xi32, #tpu.memory_space<hbm>> -> memref<128xi32, #tpu.memory_space<hbm>>
      %dma_start3A_140 = tpu.memref_slice %arg3[%run_scoped3A_22, %run_scoped3A_23, %mul3A_19] : memref<3x2x160000xi32, #tpu.memory_space<hbm>> -> memref<1x1x128xi32, #tpu.memory_space<hbm>>
      %dma_start3A_141 = tpu.memref_squeeze %dma_start3A_140 : memref<1x1x128xi32, #tpu.memory_space<hbm>> -> memref<128xi32, #tpu.memory_space<hbm>>
      tpu.enqueue_dma source(%dma_start3A_141 : memref<128xi32, #tpu.memory_space<hbm>>) target(%arg14 : memref<128xi32, #tpu.memory_space<vmem>>) target_semaphore(%run_scoped3A_137 : memref<!tpu.dma_semaphore, #tpu.memory_space<semaphore_mem>>)
      %dma_wait3A_142 = tpu.memref_slice %arg3[%run_scoped3A_22, %run_scoped3A_23, %mul3A_19] : memref<3x2x160000xi32, #tpu.memory_space<hbm>> -> memref<1x1x128xi32, #tpu.memory_space<hbm>>
      %dma_wait3A_143 = tpu.memref_squeeze %dma_wait3A_142 : memref<1x1x128xi32, #tpu.memory_space<hbm>> -> memref<128xi32, #tpu.memory_space<hbm>>
      %dma_wait3A_144 = tpu.memref_slice %arg3[%run_scoped3A_22, %run_scoped3A_23, %mul3A_19] : memref<3x2x160000xi32, #tpu.memory_space<hbm>> -> memref<1x1x128xi32, #tpu.memory_space<hbm>>
      %dma_wait3A_145 = tpu.memref_squeeze %dma_wait3A_144 : memref<1x1x128xi32, #tpu.memory_space<hbm>> -> memref<128xi32, #tpu.memory_space<hbm>>
      tpu.wait_dma2 semaphore(%run_scoped3A_137 : memref<!tpu.dma_semaphore, #tpu.memory_space<semaphore_mem>>) src(%dma_wait3A_145 : memref<128xi32, #tpu.memory_space<hbm>>) dst(%arg14 : memref<128xi32, #tpu.memory_space<vmem>>)
      tpu.yield
    }) : () -> ()
    %dma_start3A_24 = arith.constant 0 : i32
    %dma_start3A_25 = arith.constant 0 : i32
    %dma_start3A_26 = tpu.memref_slice %arg2[%dma_start3A_24, %dma_start3A_25] : memref<10000x128xf32, #tpu.memory_space<hbm>> -> memref<10000x128xf32, #tpu.memory_space<hbm>>
    tpu.enqueue_indirect_dma source(%dma_start3A_26 : memref<10000x128xf32, #tpu.memory_space<hbm>>) target(%arg8 : memref<128x128xf32, #tpu.memory_space<vmem>>) offsets(%arg11 : memref<128xi32, #tpu.memory_space<vmem>>) semaphore(%arg17 : memref<!tpu.dma_semaphore, #tpu.memory_space<semaphore_mem>>)
    %scan3A = arith.constant 0 : i32
    %scan3A_27 = arith.constant 13 : i32
    %scan3A_28 = arith.addi %scan3A, %scan3A_27 : i32
    %scan3A_29 = arith.constant 1 : i32
    scf.for %scan3A_137 = %scan3A to %scan3A_28 step %scan3A_29  : i32 {
      %mul3A_138 = arith.constant 3 : i32
      %mul3A_139 = arith.muli %scan3A_137, %mul3A_138 : i32
      %add3A_140 = arith.constant 0 : i32
      %add3A_141 = arith.addi %add3A_140, %mul3A_139 : i32
      %add3A_142 = arith.constant 0 : i32
      %add3A_143 = arith.addi %add3A_141, %add3A_142 : i32
      %dma_wait3A_144 = arith.constant 0 : i32
      %dma_wait3A_145 = arith.constant 0 : i32
      %dma_wait3A_146 = tpu.memref_slice %arg2[%dma_wait3A_144, %dma_wait3A_145] : memref<10000x128xf32, #tpu.memory_space<hbm>> -> memref<10000x128xf32, #tpu.memory_space<hbm>>
      tpu.wait_indirect_dma semaphore(%arg16 : memref<!tpu.dma_semaphore, #tpu.memory_space<semaphore_mem>>) src(%dma_wait3A_146 : memref<10000x128xf32, #tpu.memory_space<hbm>>) dst(%arg7 : memref<128x128xf32, #tpu.memory_space<vmem>>)
      %dma_start3A_147 = arith.constant 0 : i32
      %dma_start3A_148 = arith.constant 0 : i32
      %dma_start3A_149 = tpu.memref_slice %arg6[%dma_start3A_147, %dma_start3A_148] : memref<10112x128xf32, #tpu.memory_space<vmem_shared>> -> memref<10112x128xf32, #tpu.memory_space<vmem_shared>>
      tpu.enqueue_indirect_dma source(%arg7 : memref<128x128xf32, #tpu.memory_space<vmem>>) target(%dma_start3A_149 : memref<10112x128xf32, #tpu.memory_space<vmem_shared>>) offsets(%arg13 : memref<128xi32, #tpu.memory_space<vmem>>) semaphore(%arg19 : memref<!tpu.dma_semaphore, #tpu.memory_space<semaphore_mem>>) {add = true}
      %add3A_150 = arith.constant 2 : i32
      %add3A_151 = arith.addi %add3A_143, %add3A_150 : i32
      %lt3A_152 = arith.constant 39 : i32
      %lt3A_153 = arith.cmpi slt, %add3A_151, %lt3A_152 : i32
      %convert_element_type3A_154 = arith.extui %lt3A_153 : i1 to i32
      %cond3A_155 = arith.constant 0 : i32
      %cond3A_156 = arith.cmpi ne, %convert_element_type3A_154, %cond3A_155 : i32
      scf.if %cond3A_156 {
        %ge3A = arith.constant 1 : i32
        %ge3A_187 = arith.cmpi sge, %add3A_143, %ge3A : i32
        %convert_element_type3A_188 = arith.extui %ge3A_187 : i1 to i32
        %cond3A_189 = arith.constant 0 : i32
        %cond3A_190 = arith.cmpi ne, %convert_element_type3A_188, %cond3A_189 : i32
        scf.if %cond3A_190 {
          %dma_wait3A_203 = arith.constant 0 : i32
          %dma_wait3A_204 = arith.constant 0 : i32
          %dma_wait3A_205 = tpu.memref_slice %arg6[%dma_wait3A_203, %dma_wait3A_204] : memref<10112x128xf32, #tpu.memory_space<vmem_shared>> -> memref<10112x128xf32, #tpu.memory_space<vmem_shared>>
          tpu.wait_indirect_dma semaphore(%arg21 : memref<!tpu.dma_semaphore, #tpu.memory_space<semaphore_mem>>) src(%arg9 : memref<128x128xf32, #tpu.memory_space<vmem>>) dst(%dma_wait3A_205 : memref<10112x128xf32, #tpu.memory_space<vmem_shared>>)
        } else {
        }
        %add3A_191 = arith.constant 2 : i32
        %add3A_192 = arith.addi %add3A_143, %add3A_191 : i32
        %add3A_193 = arith.addi %add3A_4, %add3A_192 : i32
        %mul3A_194 = arith.constant 128 : i32
        %mul3A_195 = arith.muli %add3A_193, %mul3A_194 : i32
        %run_scoped3A_196 = arith.constant 0 : i32
        %run_scoped3A_197 = arith.constant 0 : i32
        "tpu.region"() ({
          %run_scoped3A_203 = tpu.sem_alloc : memref<!tpu.dma_semaphore, #tpu.memory_space<semaphore_mem>>
          %dma_start3A_204 = tpu.memref_slice %arg3[%run_scoped3A_196, %run_scoped3A_197, %mul3A_195] : memref<3x2x160000xi32, #tpu.memory_space<hbm>> -> memref<1x1x128xi32, #tpu.memory_space<hbm>>
          %dma_start3A_205 = tpu.memref_squeeze %dma_start3A_204 : memref<1x1x128xi32, #tpu.memory_space<hbm>> -> memref<128xi32, #tpu.memory_space<hbm>>
          %dma_start3A_206 = tpu.memref_slice %arg3[%run_scoped3A_196, %run_scoped3A_197, %mul3A_195] : memref<3x2x160000xi32, #tpu.memory_space<hbm>> -> memref<1x1x128xi32, #tpu.memory_space<hbm>>
          %dma_start3A_207 = tpu.memref_squeeze %dma_start3A_206 : memref<1x1x128xi32, #tpu.memory_space<hbm>> -> memref<128xi32, #tpu.memory_space<hbm>>
          tpu.enqueue_dma source(%dma_start3A_207 : memref<128xi32, #tpu.memory_space<hbm>>) target(%arg12 : memref<128xi32, #tpu.memory_space<vmem>>) target_semaphore(%run_scoped3A_203 : memref<!tpu.dma_semaphore, #tpu.memory_space<semaphore_mem>>)
          %dma_wait3A_208 = tpu.memref_slice %arg3[%run_scoped3A_196, %run_scoped3A_197, %mul3A_195] : memref<3x2x160000xi32, #tpu.memory_space<hbm>> -> memref<1x1x128xi32, #tpu.memory_space<hbm>>
          %dma_wait3A_209 = tpu.memref_squeeze %dma_wait3A_208 : memref<1x1x128xi32, #tpu.memory_space<hbm>> -> memref<128xi32, #tpu.memory_space<hbm>>
          %dma_wait3A_210 = tpu.memref_slice %arg3[%run_scoped3A_196, %run_scoped3A_197, %mul3A_195] : memref<3x2x160000xi32, #tpu.memory_space<hbm>> -> memref<1x1x128xi32, #tpu.memory_space<hbm>>
          %dma_wait3A_211 = tpu.memref_squeeze %dma_wait3A_210 : memref<1x1x128xi32, #tpu.memory_space<hbm>> -> memref<128xi32, #tpu.memory_space<hbm>>
          tpu.wait_dma2 semaphore(%run_scoped3A_203 : memref<!tpu.dma_semaphore, #tpu.memory_space<semaphore_mem>>) src(%dma_wait3A_211 : memref<128xi32, #tpu.memory_space<hbm>>) dst(%arg12 : memref<128xi32, #tpu.memory_space<vmem>>)
          tpu.yield
        }) : () -> ()
        %run_scoped3A_198 = arith.constant 0 : i32
        %run_scoped3A_199 = arith.constant 1 : i32
        "tpu.region"() ({
          %run_scoped3A_203 = tpu.sem_alloc : memref<!tpu.dma_semaphore, #tpu.memory_space<semaphore_mem>>
          %dma_start3A_204 = tpu.memref_slice %arg3[%run_scoped3A_198, %run_scoped3A_199, %mul3A_195] : memref<3x2x160000xi32, #tpu.memory_space<hbm>> -> memref<1x1x128xi32, #tpu.memory_space<hbm>>
          %dma_start3A_205 = tpu.memref_squeeze %dma_start3A_204 : memref<1x1x128xi32, #tpu.memory_space<hbm>> -> memref<128xi32, #tpu.memory_space<hbm>>
          %dma_start3A_206 = tpu.memref_slice %arg3[%run_scoped3A_198, %run_scoped3A_199, %mul3A_195] : memref<3x2x160000xi32, #tpu.memory_space<hbm>> -> memref<1x1x128xi32, #tpu.memory_space<hbm>>
          %dma_start3A_207 = tpu.memref_squeeze %dma_start3A_206 : memref<1x1x128xi32, #tpu.memory_space<hbm>> -> memref<128xi32, #tpu.memory_space<hbm>>
          tpu.enqueue_dma source(%dma_start3A_207 : memref<128xi32, #tpu.memory_space<hbm>>) target(%arg15 : memref<128xi32, #tpu.memory_space<vmem>>) target_semaphore(%run_scoped3A_203 : memref<!tpu.dma_semaphore, #tpu.memory_space<semaphore_mem>>)
          %dma_wait3A_208 = tpu.memref_slice %arg3[%run_scoped3A_198, %run_scoped3A_199, %mul3A_195] : memref<3x2x160000xi32, #tpu.memory_space<hbm>> -> memref<1x1x128xi32, #tpu.memory_space<hbm>>
          %dma_wait3A_209 = tpu.memref_squeeze %dma_wait3A_208 : memref<1x1x128xi32, #tpu.memory_space<hbm>> -> memref<128xi32, #tpu.memory_space<hbm>>
          %dma_wait3A_210 = tpu.memref_slice %arg3[%run_scoped3A_198, %run_scoped3A_199, %mul3A_195] : memref<3x2x160000xi32, #tpu.memory_space<hbm>> -> memref<1x1x128xi32, #tpu.memory_space<hbm>>
          %dma_wait3A_211 = tpu.memref_squeeze %dma_wait3A_210 : memref<1x1x128xi32, #tpu.memory_space<hbm>> -> memref<128xi32, #tpu.memory_space<hbm>>
          tpu.wait_dma2 semaphore(%run_scoped3A_203 : memref<!tpu.dma_semaphore, #tpu.memory_space<semaphore_mem>>) src(%dma_wait3A_211 : memref<128xi32, #tpu.memory_space<hbm>>) dst(%arg15 : memref<128xi32, #tpu.memory_space<vmem>>)
          tpu.yield
        }) : () -> ()
        %dma_start3A_200 = arith.constant 0 : i32
        %dma_start3A_201 = arith.constant 0 : i32
        %dma_start3A_202 = tpu.memref_slice %arg2[%dma_start3A_200, %dma_start3A_201] : memref<10000x128xf32, #tpu.memory_space<hbm>> -> memref<10000x128xf32, #tpu.memory_space<hbm>>
        tpu.enqueue_indirect_dma source(%dma_start3A_202 : memref<10000x128xf32, #tpu.memory_space<hbm>>) target(%arg9 : memref<128x128xf32, #tpu.memory_space<vmem>>) offsets(%arg12 : memref<128xi32, #tpu.memory_space<vmem>>) semaphore(%arg18 : memref<!tpu.dma_semaphore, #tpu.memory_space<semaphore_mem>>)
      } else {
      }
      %add3A_157 = arith.constant 1 : i32
      %add3A_158 = arith.addi %add3A_141, %add3A_157 : i32
      %dma_wait3A_159 = arith.constant 0 : i32
      %dma_wait3A_160 = arith.constant 0 : i32
      %dma_wait3A_161 = tpu.memref_slice %arg2[%dma_wait3A_159, %dma_wait3A_160] : memref<10000x128xf32, #tpu.memory_space<hbm>> -> memref<10000x128xf32, #tpu.memory_space<hbm>>
      tpu.wait_indirect_dma semaphore(%arg17 : memref<!tpu.dma_semaphore, #tpu.memory_space<semaphore_mem>>) src(%dma_wait3A_161 : memref<10000x128xf32, #tpu.memory_space<hbm>>) dst(%arg8 : memref<128x128xf32, #tpu.memory_space<vmem>>)
      %dma_start3A_162 = arith.constant 0 : i32
      %dma_start3A_163 = arith.constant 0 : i32
      %dma_start3A_164 = tpu.memref_slice %arg6[%dma_start3A_162, %dma_start3A_163] : memref<10112x128xf32, #tpu.memory_space<vmem_shared>> -> memref<10112x128xf32, #tpu.memory_space<vmem_shared>>
      tpu.enqueue_indirect_dma source(%arg8 : memref<128x128xf32, #tpu.memory_space<vmem>>) target(%dma_start3A_164 : memref<10112x128xf32, #tpu.memory_space<vmem_shared>>) offsets(%arg14 : memref<128xi32, #tpu.memory_space<vmem>>) semaphore(%arg20 : memref<!tpu.dma_semaphore, #tpu.memory_space<semaphore_mem>>) {add = true}
      %add3A_165 = arith.constant 2 : i32
      %add3A_166 = arith.addi %add3A_158, %add3A_165 : i32
      %lt3A_167 = arith.constant 39 : i32
      %lt3A_168 = arith.cmpi slt, %add3A_166, %lt3A_167 : i32
      %convert_element_type3A_169 = arith.extui %lt3A_168 : i1 to i32
      %cond3A_170 = arith.constant 0 : i32
      %cond3A_171 = arith.cmpi ne, %convert_element_type3A_169, %cond3A_170 : i32
      scf.if %cond3A_171 {
        %ge3A = arith.constant 1 : i32
        %ge3A_187 = arith.cmpi sge, %add3A_158, %ge3A : i32
        %convert_element_type3A_188 = arith.extui %ge3A_187 : i1 to i32
        %cond3A_189 = arith.constant 0 : i32
        %cond3A_190 = arith.cmpi ne, %convert_element_type3A_188, %cond3A_189 : i32
        scf.if %cond3A_190 {
          %dma_wait3A_203 = arith.constant 0 : i32
          %dma_wait3A_204 = arith.constant 0 : i32
          %dma_wait3A_205 = tpu.memref_slice %arg6[%dma_wait3A_203, %dma_wait3A_204] : memref<10112x128xf32, #tpu.memory_space<vmem_shared>> -> memref<10112x128xf32, #tpu.memory_space<vmem_shared>>
          tpu.wait_indirect_dma semaphore(%arg19 : memref<!tpu.dma_semaphore, #tpu.memory_space<semaphore_mem>>) src(%arg7 : memref<128x128xf32, #tpu.memory_space<vmem>>) dst(%dma_wait3A_205 : memref<10112x128xf32, #tpu.memory_space<vmem_shared>>)
        } else {
        }
        %add3A_191 = arith.constant 2 : i32
        %add3A_192 = arith.addi %add3A_158, %add3A_191 : i32
        %add3A_193 = arith.addi %add3A_4, %add3A_192 : i32
        %mul3A_194 = arith.constant 128 : i32
        %mul3A_195 = arith.muli %add3A_193, %mul3A_194 : i32
        %run_scoped3A_196 = arith.constant 0 : i32
        %run_scoped3A_197 = arith.constant 0 : i32
        "tpu.region"() ({
          %run_scoped3A_203 = tpu.sem_alloc : memref<!tpu.dma_semaphore, #tpu.memory_space<semaphore_mem>>
          %dma_start3A_204 = tpu.memref_slice %arg3[%run_scoped3A_196, %run_scoped3A_197, %mul3A_195] : memref<3x2x160000xi32, #tpu.memory_space<hbm>> -> memref<1x1x128xi32, #tpu.memory_space<hbm>>
          %dma_start3A_205 = tpu.memref_squeeze %dma_start3A_204 : memref<1x1x128xi32, #tpu.memory_space<hbm>> -> memref<128xi32, #tpu.memory_space<hbm>>
          %dma_start3A_206 = tpu.memref_slice %arg3[%run_scoped3A_196, %run_scoped3A_197, %mul3A_195] : memref<3x2x160000xi32, #tpu.memory_space<hbm>> -> memref<1x1x128xi32, #tpu.memory_space<hbm>>
          %dma_start3A_207 = tpu.memref_squeeze %dma_start3A_206 : memref<1x1x128xi32, #tpu.memory_space<hbm>> -> memref<128xi32, #tpu.memory_space<hbm>>
          tpu.enqueue_dma source(%dma_start3A_207 : memref<128xi32, #tpu.memory_space<hbm>>) target(%arg10 : memref<128xi32, #tpu.memory_space<vmem>>) target_semaphore(%run_scoped3A_203 : memref<!tpu.dma_semaphore, #tpu.memory_space<semaphore_mem>>)
          %dma_wait3A_208 = tpu.memref_slice %arg3[%run_scoped3A_196, %run_scoped3A_197, %mul3A_195] : memref<3x2x160000xi32, #tpu.memory_space<hbm>> -> memref<1x1x128xi32, #tpu.memory_space<hbm>>
          %dma_wait3A_209 = tpu.memref_squeeze %dma_wait3A_208 : memref<1x1x128xi32, #tpu.memory_space<hbm>> -> memref<128xi32, #tpu.memory_space<hbm>>
          %dma_wait3A_210 = tpu.memref_slice %arg3[%run_scoped3A_196, %run_scoped3A_197, %mul3A_195] : memref<3x2x160000xi32, #tpu.memory_space<hbm>> -> memref<1x1x128xi32, #tpu.memory_space<hbm>>
          %dma_wait3A_211 = tpu.memref_squeeze %dma_wait3A_210 : memref<1x1x128xi32, #tpu.memory_space<hbm>> -> memref<128xi32, #tpu.memory_space<hbm>>
          tpu.wait_dma2 semaphore(%run_scoped3A_203 : memref<!tpu.dma_semaphore, #tpu.memory_space<semaphore_mem>>) src(%dma_wait3A_211 : memref<128xi32, #tpu.memory_space<hbm>>) dst(%arg10 : memref<128xi32, #tpu.memory_space<vmem>>)
          tpu.yield
        }) : () -> ()
        %run_scoped3A_198 = arith.constant 0 : i32
        %run_scoped3A_199 = arith.constant 1 : i32
        "tpu.region"() ({
          %run_scoped3A_203 = tpu.sem_alloc : memref<!tpu.dma_semaphore, #tpu.memory_space<semaphore_mem>>
          %dma_start3A_204 = tpu.memref_slice %arg3[%run_scoped3A_198, %run_scoped3A_199, %mul3A_195] : memref<3x2x160000xi32, #tpu.memory_space<hbm>> -> memref<1x1x128xi32, #tpu.memory_space<hbm>>
          %dma_start3A_205 = tpu.memref_squeeze %dma_start3A_204 : memref<1x1x128xi32, #tpu.memory_space<hbm>> -> memref<128xi32, #tpu.memory_space<hbm>>
          %dma_start3A_206 = tpu.memref_slice %arg3[%run_scoped3A_198, %run_scoped3A_199, %mul3A_195] : memref<3x2x160000xi32, #tpu.memory_space<hbm>> -> memref<1x1x128xi32, #tpu.memory_space<hbm>>
          %dma_start3A_207 = tpu.memref_squeeze %dma_start3A_206 : memref<1x1x128xi32, #tpu.memory_space<hbm>> -> memref<128xi32, #tpu.memory_space<hbm>>
          tpu.enqueue_dma source(%dma_start3A_207 : memref<128xi32, #tpu.memory_space<hbm>>) target(%arg13 : memref<128xi32, #tpu.memory_space<vmem>>) target_semaphore(%run_scoped3A_203 : memref<!tpu.dma_semaphore, #tpu.memory_space<semaphore_mem>>)
          %dma_wait3A_208 = tpu.memref_slice %arg3[%run_scoped3A_198, %run_scoped3A_199, %mul3A_195] : memref<3x2x160000xi32, #tpu.memory_space<hbm>> -> memref<1x1x128xi32, #tpu.memory_space<hbm>>
          %dma_wait3A_209 = tpu.memref_squeeze %dma_wait3A_208 : memref<1x1x128xi32, #tpu.memory_space<hbm>> -> memref<128xi32, #tpu.memory_space<hbm>>
          %dma_wait3A_210 = tpu.memref_slice %arg3[%run_scoped3A_198, %run_scoped3A_199, %mul3A_195] : memref<3x2x160000xi32, #tpu.memory_space<hbm>> -> memref<1x1x128xi32, #tpu.memory_space<hbm>>
          %dma_wait3A_211 = tpu.memref_squeeze %dma_wait3A_210 : memref<1x1x128xi32, #tpu.memory_space<hbm>> -> memref<128xi32, #tpu.memory_space<hbm>>
          tpu.wait_dma2 semaphore(%run_scoped3A_203 : memref<!tpu.dma_semaphore, #tpu.memory_space<semaphore_mem>>) src(%dma_wait3A_211 : memref<128xi32, #tpu.memory_space<hbm>>) dst(%arg13 : memref<128xi32, #tpu.memory_space<vmem>>)
          tpu.yield
        }) : () -> ()
        %dma_start3A_200 = arith.constant 0 : i32
        %dma_start3A_201 = arith.constant 0 : i32
        %dma_start3A_202 = tpu.memref_slice %arg2[%dma_start3A_200, %dma_start3A_201] : memref<10000x128xf32, #tpu.memory_space<hbm>> -> memref<10000x128xf32, #tpu.memory_space<hbm>>
        tpu.enqueue_indirect_dma source(%dma_start3A_202 : memref<10000x128xf32, #tpu.memory_space<hbm>>) target(%arg7 : memref<128x128xf32, #tpu.memory_space<vmem>>) offsets(%arg10 : memref<128xi32, #tpu.memory_space<vmem>>) semaphore(%arg16 : memref<!tpu.dma_semaphore, #tpu.memory_space<semaphore_mem>>)
      } else {
      }
      %add3A_172 = arith.constant 2 : i32
      %add3A_173 = arith.addi %add3A_141, %add3A_172 : i32
      %dma_wait3A_174 = arith.constant 0 : i32
      %dma_wait3A_175 = arith.constant 0 : i32
      %dma_wait3A_176 = tpu.memref_slice %arg2[%dma_wait3A_174, %dma_wait3A_175] : memref<10000x128xf32, #tpu.memory_space<hbm>> -> memref<10000x128xf32, #tpu.memory_space<hbm>>
      tpu.wait_indirect_dma semaphore(%arg18 : memref<!tpu.dma_semaphore, #tpu.memory_space<semaphore_mem>>) src(%dma_wait3A_176 : memref<10000x128xf32, #tpu.memory_space<hbm>>) dst(%arg9 : memref<128x128xf32, #tpu.memory_space<vmem>>)
      %dma_start3A_177 = arith.constant 0 : i32
      %dma_start3A_178 = arith.constant 0 : i32
      %dma_start3A_179 = tpu.memref_slice %arg6[%dma_start3A_177, %dma_start3A_178] : memref<10112x128xf32, #tpu.memory_space<vmem_shared>> -> memref<10112x128xf32, #tpu.memory_space<vmem_shared>>
      tpu.enqueue_indirect_dma source(%arg9 : memref<128x128xf32, #tpu.memory_space<vmem>>) target(%dma_start3A_179 : memref<10112x128xf32, #tpu.memory_space<vmem_shared>>) offsets(%arg15 : memref<128xi32, #tpu.memory_space<vmem>>) semaphore(%arg21 : memref<!tpu.dma_semaphore, #tpu.memory_space<semaphore_mem>>) {add = true}
      %add3A_180 = arith.constant 2 : i32
      %add3A_181 = arith.addi %add3A_173, %add3A_180 : i32
      %lt3A_182 = arith.constant 39 : i32
      %lt3A_183 = arith.cmpi slt, %add3A_181, %lt3A_182 : i32
      %convert_element_type3A_184 = arith.extui %lt3A_183 : i1 to i32
      %cond3A_185 = arith.constant 0 : i32
      %cond3A_186 = arith.cmpi ne, %convert_element_type3A_184, %cond3A_185 : i32
      scf.if %cond3A_186 {
        %ge3A = arith.constant 1 : i32
        %ge3A_187 = arith.cmpi sge, %add3A_173, %ge3A : i32
        %convert_element_type3A_188 = arith.extui %ge3A_187 : i1 to i32
        %cond3A_189 = arith.constant 0 : i32
        %cond3A_190 = arith.cmpi ne, %convert_element_type3A_188, %cond3A_189 : i32
        scf.if %cond3A_190 {
          %dma_wait3A_203 = arith.constant 0 : i32
          %dma_wait3A_204 = arith.constant 0 : i32
          %dma_wait3A_205 = tpu.memref_slice %arg6[%dma_wait3A_203, %dma_wait3A_204] : memref<10112x128xf32, #tpu.memory_space<vmem_shared>> -> memref<10112x128xf32, #tpu.memory_space<vmem_shared>>
          tpu.wait_indirect_dma semaphore(%arg20 : memref<!tpu.dma_semaphore, #tpu.memory_space<semaphore_mem>>) src(%arg8 : memref<128x128xf32, #tpu.memory_space<vmem>>) dst(%dma_wait3A_205 : memref<10112x128xf32, #tpu.memory_space<vmem_shared>>)
        } else {
        }
        %add3A_191 = arith.constant 2 : i32
        %add3A_192 = arith.addi %add3A_173, %add3A_191 : i32
        %add3A_193 = arith.addi %add3A_4, %add3A_192 : i32
        %mul3A_194 = arith.constant 128 : i32
        %mul3A_195 = arith.muli %add3A_193, %mul3A_194 : i32
        %run_scoped3A_196 = arith.constant 0 : i32
        %run_scoped3A_197 = arith.constant 0 : i32
        "tpu.region"() ({
          %run_scoped3A_203 = tpu.sem_alloc : memref<!tpu.dma_semaphore, #tpu.memory_space<semaphore_mem>>
          %dma_start3A_204 = tpu.memref_slice %arg3[%run_scoped3A_196, %run_scoped3A_197, %mul3A_195] : memref<3x2x160000xi32, #tpu.memory_space<hbm>> -> memref<1x1x128xi32, #tpu.memory_space<hbm>>
          %dma_start3A_205 = tpu.memref_squeeze %dma_start3A_204 : memref<1x1x128xi32, #tpu.memory_space<hbm>> -> memref<128xi32, #tpu.memory_space<hbm>>
          %dma_start3A_206 = tpu.memref_slice %arg3[%run_scoped3A_196, %run_scoped3A_197, %mul3A_195] : memref<3x2x160000xi32, #tpu.memory_space<hbm>> -> memref<1x1x128xi32, #tpu.memory_space<hbm>>
          %dma_start3A_207 = tpu.memref_squeeze %dma_start3A_206 : memref<1x1x128xi32, #tpu.memory_space<hbm>> -> memref<128xi32, #tpu.memory_space<hbm>>
          tpu.enqueue_dma source(%dma_start3A_207 : memref<128xi32, #tpu.memory_space<hbm>>) target(%arg11 : memref<128xi32, #tpu.memory_space<vmem>>) target_semaphore(%run_scoped3A_203 : memref<!tpu.dma_semaphore, #tpu.memory_space<semaphore_mem>>)
          %dma_wait3A_208 = tpu.memref_slice %arg3[%run_scoped3A_196, %run_scoped3A_197, %mul3A_195] : memref<3x2x160000xi32, #tpu.memory_space<hbm>> -> memref<1x1x128xi32, #tpu.memory_space<hbm>>
          %dma_wait3A_209 = tpu.memref_squeeze %dma_wait3A_208 : memref<1x1x128xi32, #tpu.memory_space<hbm>> -> memref<128xi32, #tpu.memory_space<hbm>>
          %dma_wait3A_210 = tpu.memref_slice %arg3[%run_scoped3A_196, %run_scoped3A_197, %mul3A_195] : memref<3x2x160000xi32, #tpu.memory_space<hbm>> -> memref<1x1x128xi32, #tpu.memory_space<hbm>>
          %dma_wait3A_211 = tpu.memref_squeeze %dma_wait3A_210 : memref<1x1x128xi32, #tpu.memory_space<hbm>> -> memref<128xi32, #tpu.memory_space<hbm>>
          tpu.wait_dma2 semaphore(%run_scoped3A_203 : memref<!tpu.dma_semaphore, #tpu.memory_space<semaphore_mem>>) src(%dma_wait3A_211 : memref<128xi32, #tpu.memory_space<hbm>>) dst(%arg11 : memref<128xi32, #tpu.memory_space<vmem>>)
          tpu.yield
        }) : () -> ()
        %run_scoped3A_198 = arith.constant 0 : i32
        %run_scoped3A_199 = arith.constant 1 : i32
        "tpu.region"() ({
          %run_scoped3A_203 = tpu.sem_alloc : memref<!tpu.dma_semaphore, #tpu.memory_space<semaphore_mem>>
          %dma_start3A_204 = tpu.memref_slice %arg3[%run_scoped3A_198, %run_scoped3A_199, %mul3A_195] : memref<3x2x160000xi32, #tpu.memory_space<hbm>> -> memref<1x1x128xi32, #tpu.memory_space<hbm>>
          %dma_start3A_205 = tpu.memref_squeeze %dma_start3A_204 : memref<1x1x128xi32, #tpu.memory_space<hbm>> -> memref<128xi32, #tpu.memory_space<hbm>>
          %dma_start3A_206 = tpu.memref_slice %arg3[%run_scoped3A_198, %run_scoped3A_199, %mul3A_195] : memref<3x2x160000xi32, #tpu.memory_space<hbm>> -> memref<1x1x128xi32, #tpu.memory_space<hbm>>
          %dma_start3A_207 = tpu.memref_squeeze %dma_start3A_206 : memref<1x1x128xi32, #tpu.memory_space<hbm>> -> memref<128xi32, #tpu.memory_space<hbm>>
          tpu.enqueue_dma source(%dma_start3A_207 : memref<128xi32, #tpu.memory_space<hbm>>) target(%arg14 : memref<128xi32, #tpu.memory_space<vmem>>) target_semaphore(%run_scoped3A_203 : memref<!tpu.dma_semaphore, #tpu.memory_space<semaphore_mem>>)
          %dma_wait3A_208 = tpu.memref_slice %arg3[%run_scoped3A_198, %run_scoped3A_199, %mul3A_195] : memref<3x2x160000xi32, #tpu.memory_space<hbm>> -> memref<1x1x128xi32, #tpu.memory_space<hbm>>
          %dma_wait3A_209 = tpu.memref_squeeze %dma_wait3A_208 : memref<1x1x128xi32, #tpu.memory_space<hbm>> -> memref<128xi32, #tpu.memory_space<hbm>>
          %dma_wait3A_210 = tpu.memref_slice %arg3[%run_scoped3A_198, %run_scoped3A_199, %mul3A_195] : memref<3x2x160000xi32, #tpu.memory_space<hbm>> -> memref<1x1x128xi32, #tpu.memory_space<hbm>>
          %dma_wait3A_211 = tpu.memref_squeeze %dma_wait3A_210 : memref<1x1x128xi32, #tpu.memory_space<hbm>> -> memref<128xi32, #tpu.memory_space<hbm>>
          tpu.wait_dma2 semaphore(%run_scoped3A_203 : memref<!tpu.dma_semaphore, #tpu.memory_space<semaphore_mem>>) src(%dma_wait3A_211 : memref<128xi32, #tpu.memory_space<hbm>>) dst(%arg14 : memref<128xi32, #tpu.memory_space<vmem>>)
          tpu.yield
        }) : () -> ()
        %dma_start3A_200 = arith.constant 0 : i32
        %dma_start3A_201 = arith.constant 0 : i32
        %dma_start3A_202 = tpu.memref_slice %arg2[%dma_start3A_200, %dma_start3A_201] : memref<10000x128xf32, #tpu.memory_space<hbm>> -> memref<10000x128xf32, #tpu.memory_space<hbm>>
        tpu.enqueue_indirect_dma source(%dma_start3A_202 : memref<10000x128xf32, #tpu.memory_space<hbm>>) target(%arg8 : memref<128x128xf32, #tpu.memory_space<vmem>>) offsets(%arg11 : memref<128xi32, #tpu.memory_space<vmem>>) semaphore(%arg17 : memref<!tpu.dma_semaphore, #tpu.memory_space<semaphore_mem>>)
      } else {
      }
    }
    %scan3A_30 = arith.constant 13 : i32
    %dma_wait3A = arith.constant 0 : i32
    %dma_wait3A_31 = arith.constant 0 : i32
    %dma_wait3A_32 = tpu.memref_slice %arg6[%dma_wait3A, %dma_wait3A_31] : memref<10112x128xf32, #tpu.memory_space<vmem_shared>> -> memref<10112x128xf32, #tpu.memory_space<vmem_shared>>
    tpu.wait_indirect_dma semaphore(%arg19 : memref<!tpu.dma_semaphore, #tpu.memory_space<semaphore_mem>>) src(%arg7 : memref<128x128xf32, #tpu.memory_space<vmem>>) dst(%dma_wait3A_32 : memref<10112x128xf32, #tpu.memory_space<vmem_shared>>)
    %dma_wait3A_33 = arith.constant 0 : i32
    %dma_wait3A_34 = arith.constant 0 : i32
    %dma_wait3A_35 = tpu.memref_slice %arg6[%dma_wait3A_33, %dma_wait3A_34] : memref<10112x128xf32, #tpu.memory_space<vmem_shared>> -> memref<10112x128xf32, #tpu.memory_space<vmem_shared>>
    tpu.wait_indirect_dma semaphore(%arg20 : memref<!tpu.dma_semaphore, #tpu.memory_space<semaphore_mem>>) src(%arg8 : memref<128x128xf32, #tpu.memory_space<vmem>>) dst(%dma_wait3A_35 : memref<10112x128xf32, #tpu.memory_space<vmem_shared>>)
    %dma_wait3A_36 = arith.constant 0 : i32
    %dma_wait3A_37 = arith.constant 0 : i32
    %dma_wait3A_38 = tpu.memref_slice %arg6[%dma_wait3A_36, %dma_wait3A_37] : memref<10112x128xf32, #tpu.memory_space<vmem_shared>> -> memref<10112x128xf32, #tpu.memory_space<vmem_shared>>
    tpu.wait_indirect_dma semaphore(%arg21 : memref<!tpu.dma_semaphore, #tpu.memory_space<semaphore_mem>>) src(%arg9 : memref<128x128xf32, #tpu.memory_space<vmem>>) dst(%dma_wait3A_38 : memref<10112x128xf32, #tpu.memory_space<vmem_shared>>)
    %lt3A = arith.constant 2 : i32
    %lt3A_39 = arith.cmpi slt, %add3A, %lt3A : i32
    %convert_element_type3A = arith.extui %lt3A_39 : i1 to i32
    %cond3A = arith.constant 0 : i32
    %cond3A_40 = arith.cmpi ne, %convert_element_type3A, %cond3A : i32
    scf.if %cond3A_40 {
      %add3A_137 = arith.constant 39 : i32
      %add3A_138 = arith.addi %add3A_4, %add3A_137 : i32
      %mul3A_139 = arith.constant 128 : i32
      %mul3A_140 = arith.muli %add3A_138, %mul3A_139 : i32
      %run_scoped3A_141 = arith.constant 0 : i32
      %run_scoped3A_142 = arith.constant 0 : i32
      "tpu.region"() ({
        %run_scoped3A_145 = tpu.sem_alloc : memref<!tpu.dma_semaphore, #tpu.memory_space<semaphore_mem>>
        %dma_start3A_146 = tpu.memref_slice %arg3[%run_scoped3A_141, %run_scoped3A_142, %mul3A_140] : memref<3x2x160000xi32, #tpu.memory_space<hbm>> -> memref<1x1x128xi32, #tpu.memory_space<hbm>>
        %dma_start3A_147 = tpu.memref_squeeze %dma_start3A_146 : memref<1x1x128xi32, #tpu.memory_space<hbm>> -> memref<128xi32, #tpu.memory_space<hbm>>
        %dma_start3A_148 = tpu.memref_slice %arg3[%run_scoped3A_141, %run_scoped3A_142, %mul3A_140] : memref<3x2x160000xi32, #tpu.memory_space<hbm>> -> memref<1x1x128xi32, #tpu.memory_space<hbm>>
        %dma_start3A_149 = tpu.memref_squeeze %dma_start3A_148 : memref<1x1x128xi32, #tpu.memory_space<hbm>> -> memref<128xi32, #tpu.memory_space<hbm>>
        tpu.enqueue_dma source(%dma_start3A_149 : memref<128xi32, #tpu.memory_space<hbm>>) target(%arg10 : memref<128xi32, #tpu.memory_space<vmem>>) target_semaphore(%run_scoped3A_145 : memref<!tpu.dma_semaphore, #tpu.memory_space<semaphore_mem>>)
        %dma_wait3A_150 = tpu.memref_slice %arg3[%run_scoped3A_141, %run_scoped3A_142, %mul3A_140] : memref<3x2x160000xi32, #tpu.memory_space<hbm>> -> memref<1x1x128xi32, #tpu.memory_space<hbm>>
        %dma_wait3A_151 = tpu.memref_squeeze %dma_wait3A_150 : memref<1x1x128xi32, #tpu.memory_space<hbm>> -> memref<128xi32, #tpu.memory_space<hbm>>
        %dma_wait3A_152 = tpu.memref_slice %arg3[%run_scoped3A_141, %run_scoped3A_142, %mul3A_140] : memref<3x2x160000xi32, #tpu.memory_space<hbm>> -> memref<1x1x128xi32, #tpu.memory_space<hbm>>
        %dma_wait3A_153 = tpu.memref_squeeze %dma_wait3A_152 : memref<1x1x128xi32, #tpu.memory_space<hbm>> -> memref<128xi32, #tpu.memory_space<hbm>>
        tpu.wait_dma2 semaphore(%run_scoped3A_145 : memref<!tpu.dma_semaphore, #tpu.memory_space<semaphore_mem>>) src(%dma_wait3A_153 : memref<128xi32, #tpu.memory_space<hbm>>) dst(%arg10 : memref<128xi32, #tpu.memory_space<vmem>>)
        tpu.yield
      }) : () -> ()
      %run_scoped3A_143 = arith.constant 0 : i32
      %run_scoped3A_144 = arith.constant 1 : i32
      "tpu.region"() ({
        %run_scoped3A_145 = tpu.sem_alloc : memref<!tpu.dma_semaphore, #tpu.memory_space<semaphore_mem>>
        %dma_start3A_146 = tpu.memref_slice %arg3[%run_scoped3A_143, %run_scoped3A_144, %mul3A_140] : memref<3x2x160000xi32, #tpu.memory_space<hbm>> -> memref<1x1x128xi32, #tpu.memory_space<hbm>>
        %dma_start3A_147 = tpu.memref_squeeze %dma_start3A_146 : memref<1x1x128xi32, #tpu.memory_space<hbm>> -> memref<128xi32, #tpu.memory_space<hbm>>
        %dma_start3A_148 = tpu.memref_slice %arg3[%run_scoped3A_143, %run_scoped3A_144, %mul3A_140] : memref<3x2x160000xi32, #tpu.memory_space<hbm>> -> memref<1x1x128xi32, #tpu.memory_space<hbm>>
        %dma_start3A_149 = tpu.memref_squeeze %dma_start3A_148 : memref<1x1x128xi32, #tpu.memory_space<hbm>> -> memref<128xi32, #tpu.memory_space<hbm>>
        tpu.enqueue_dma source(%dma_start3A_149 : memref<128xi32, #tpu.memory_space<hbm>>) target(%arg13 : memref<128xi32, #tpu.memory_space<vmem>>) target_semaphore(%run_scoped3A_145 : memref<!tpu.dma_semaphore, #tpu.memory_space<semaphore_mem>>)
        %dma_wait3A_150 = tpu.memref_slice %arg3[%run_scoped3A_143, %run_scoped3A_144, %mul3A_140] : memref<3x2x160000xi32, #tpu.memory_space<hbm>> -> memref<1x1x128xi32, #tpu.memory_space<hbm>>
        %dma_wait3A_151 = tpu.memref_squeeze %dma_wait3A_150 : memref<1x1x128xi32, #tpu.memory_space<hbm>> -> memref<128xi32, #tpu.memory_space<hbm>>
        %dma_wait3A_152 = tpu.memref_slice %arg3[%run_scoped3A_143, %run_scoped3A_144, %mul3A_140] : memref<3x2x160000xi32, #tpu.memory_space<hbm>> -> memref<1x1x128xi32, #tpu.memory_space<hbm>>
        %dma_wait3A_153 = tpu.memref_squeeze %dma_wait3A_152 : memref<1x1x128xi32, #tpu.memory_space<hbm>> -> memref<128xi32, #tpu.memory_space<hbm>>
        tpu.wait_dma2 semaphore(%run_scoped3A_145 : memref<!tpu.dma_semaphore, #tpu.memory_space<semaphore_mem>>) src(%dma_wait3A_153 : memref<128xi32, #tpu.memory_space<hbm>>) dst(%arg13 : memref<128xi32, #tpu.memory_space<vmem>>)
        tpu.yield
      }) : () -> ()
      "tpu.region"() ({
        %run_scoped3A_145 = tpu.sem_alloc : memref<!tpu.dma_semaphore, #tpu.memory_space<semaphore_mem>>
        %dma_start3A_146 = arith.constant 0 : i32
        %dma_start3A_147 = arith.constant 0 : i32
        %dma_start3A_148 = tpu.memref_slice %arg2[%dma_start3A_146, %dma_start3A_147] : memref<10000x128xf32, #tpu.memory_space<hbm>> -> memref<10000x128xf32, #tpu.memory_space<hbm>>
        tpu.enqueue_indirect_dma source(%dma_start3A_148 : memref<10000x128xf32, #tpu.memory_space<hbm>>) target(%arg7 : memref<128x128xf32, #tpu.memory_space<vmem>>) offsets(%arg10 : memref<128xi32, #tpu.memory_space<vmem>>) semaphore(%run_scoped3A_145 : memref<!tpu.dma_semaphore, #tpu.memory_space<semaphore_mem>>)
        %dma_wait3A_149 = arith.constant 0 : i32
        %dma_wait3A_150 = arith.constant 0 : i32
        %dma_wait3A_151 = tpu.memref_slice %arg2[%dma_wait3A_149, %dma_wait3A_150] : memref<10000x128xf32, #tpu.memory_space<hbm>> -> memref<10000x128xf32, #tpu.memory_space<hbm>>
        tpu.wait_indirect_dma semaphore(%run_scoped3A_145 : memref<!tpu.dma_semaphore, #tpu.memory_space<semaphore_mem>>) src(%dma_wait3A_151 : memref<10000x128xf32, #tpu.memory_space<hbm>>) dst(%arg7 : memref<128x128xf32, #tpu.memory_space<vmem>>)
        tpu.yield
      }) : () -> ()
      "tpu.region"() ({
        %run_scoped3A_145 = tpu.sem_alloc : memref<!tpu.dma_semaphore, #tpu.memory_space<semaphore_mem>>
        %dma_start3A_146 = arith.constant 0 : i32
        %dma_start3A_147 = arith.constant 0 : i32
        %dma_start3A_148 = tpu.memref_slice %arg6[%dma_start3A_146, %dma_start3A_147] : memref<10112x128xf32, #tpu.memory_space<vmem_shared>> -> memref<10112x128xf32, #tpu.memory_space<vmem_shared>>
        tpu.enqueue_indirect_dma source(%arg7 : memref<128x128xf32, #tpu.memory_space<vmem>>) target(%dma_start3A_148 : memref<10112x128xf32, #tpu.memory_space<vmem_shared>>) offsets(%arg13 : memref<128xi32, #tpu.memory_space<vmem>>) semaphore(%run_scoped3A_145 : memref<!tpu.dma_semaphore, #tpu.memory_space<semaphore_mem>>) {add = true}
        %dma_wait3A_149 = arith.constant 0 : i32
        %dma_wait3A_150 = arith.constant 0 : i32
        %dma_wait3A_151 = tpu.memref_slice %arg6[%dma_wait3A_149, %dma_wait3A_150] : memref<10112x128xf32, #tpu.memory_space<vmem_shared>> -> memref<10112x128xf32, #tpu.memory_space<vmem_shared>>
        tpu.wait_indirect_dma semaphore(%run_scoped3A_145 : memref<!tpu.dma_semaphore, #tpu.memory_space<semaphore_mem>>) src(%arg7 : memref<128x128xf32, #tpu.memory_space<vmem>>) dst(%dma_wait3A_151 : memref<10112x128xf32, #tpu.memory_space<vmem_shared>>)
        tpu.yield
      }) : () -> ()
    } else {
    }
    %barrier3A_41 = arith.constant 0 : index
    tpu.barrier barrier_id(%barrier3A_41)
    %add3A_42 = arith.constant 0 : i32
    %add3A_43 = arith.addi %add3A_42, %arg0 : i32
    "tpu.region"() ({
      %run_scoped3A_137 = tpu.sem_alloc : memref<!tpu.dma_semaphore, #tpu.memory_space<semaphore_mem>>
      %dma_start3A_138 = arith.constant 0 : i32
      %dma_start3A_139 = tpu.memref_slice %arg5[%add3A_43, %mul3A_6, %dma_start3A_138] : memref<6x10112x128xf32, #tpu.memory_space<hbm>> -> memref<1x632x128xf32, #tpu.memory_space<hbm>>
      %dma_start3A_140 = tpu.memref_squeeze %dma_start3A_139 : memref<1x632x128xf32, #tpu.memory_space<hbm>> -> memref<632x128xf32, #tpu.memory_space<hbm>>
      %dma_start3A_141 = arith.constant 0 : i32
      %dma_start3A_142 = tpu.memref_slice %arg6[%mul3A_6, %dma_start3A_141] : memref<10112x128xf32, #tpu.memory_space<vmem_shared>> -> memref<632x128xf32, #tpu.memory_space<vmem_shared>>
      tpu.enqueue_dma source(%dma_start3A_142 : memref<632x128xf32, #tpu.memory_space<vmem_shared>>) target(%dma_start3A_140 : memref<632x128xf32, #tpu.memory_space<hbm>>) target_semaphore(%run_scoped3A_137 : memref<!tpu.dma_semaphore, #tpu.memory_space<semaphore_mem>>)
      %dma_wait3A_143 = arith.constant 0 : i32
      %dma_wait3A_144 = tpu.memref_slice %arg5[%add3A_43, %mul3A_6, %dma_wait3A_143] : memref<6x10112x128xf32, #tpu.memory_space<hbm>> -> memref<1x632x128xf32, #tpu.memory_space<hbm>>
      %dma_wait3A_145 = tpu.memref_squeeze %dma_wait3A_144 : memref<1x632x128xf32, #tpu.memory_space<hbm>> -> memref<632x128xf32, #tpu.memory_space<hbm>>
      %dma_wait3A_146 = arith.constant 0 : i32
      %dma_wait3A_147 = tpu.memref_slice %arg6[%mul3A_6, %dma_wait3A_146] : memref<10112x128xf32, #tpu.memory_space<vmem_shared>> -> memref<632x128xf32, #tpu.memory_space<vmem_shared>>
      tpu.wait_dma2 semaphore(%run_scoped3A_137 : memref<!tpu.dma_semaphore, #tpu.memory_space<semaphore_mem>>) src(%dma_wait3A_147 : memref<632x128xf32, #tpu.memory_space<vmem_shared>>) dst(%dma_wait3A_145 : memref<632x128xf32, #tpu.memory_space<hbm>>)
      tpu.yield
    }) : () -> ()
    %barrier3A_44 = arith.constant 0 : index
    tpu.barrier barrier_id(%barrier3A_44)
    "tpu.region"() ({
      %run_scoped3A_137 = tpu.sem_alloc : memref<!tpu.dma_semaphore, #tpu.memory_space<semaphore_mem>>
      %dma_start3A_138 = arith.constant 0 : i32
      %dma_start3A_139 = tpu.memref_slice %arg6[%mul3A_6, %dma_start3A_138] : memref<10112x128xf32, #tpu.memory_space<vmem_shared>> -> memref<632x128xf32, #tpu.memory_space<vmem_shared>>
      tpu.enqueue_dma source(%arg4 : memref<632x128xf32, #tpu.memory_space<hbm>>) target(%dma_start3A_139 : memref<632x128xf32, #tpu.memory_space<vmem_shared>>) target_semaphore(%run_scoped3A_137 : memref<!tpu.dma_semaphore, #tpu.memory_space<semaphore_mem>>)
      %dma_wait3A_140 = arith.constant 0 : i32
      %dma_wait3A_141 = tpu.memref_slice %arg6[%mul3A_6, %dma_wait3A_140] : memref<10112x128xf32, #tpu.memory_space<vmem_shared>> -> memref<632x128xf32, #tpu.memory_space<vmem_shared>>
      tpu.wait_dma2 semaphore(%run_scoped3A_137 : memref<!tpu.dma_semaphore, #tpu.memory_space<semaphore_mem>>) src(%arg4 : memref<632x128xf32, #tpu.memory_space<hbm>>) dst(%dma_wait3A_141 : memref<632x128xf32, #tpu.memory_space<vmem_shared>>)
      tpu.yield
    }) : () -> ()
    %barrier3A_45 = arith.constant 0 : index
    tpu.barrier barrier_id(%barrier3A_45)
    %add3A_46 = arith.constant 0 : i32
    %add3A_47 = arith.addi %add3A_4, %add3A_46 : i32
    %mul3A_48 = arith.constant 128 : i32
    %mul3A_49 = arith.muli %add3A_47, %mul3A_48 : i32
    %run_scoped3A_50 = arith.constant 1 : i32
    %run_scoped3A_51 = arith.constant 0 : i32
    "tpu.region"() ({
      %run_scoped3A_137 = tpu.sem_alloc : memref<!tpu.dma_semaphore, #tpu.memory_space<semaphore_mem>>
      %dma_start3A_138 = tpu.memref_slice %arg3[%run_scoped3A_50, %run_scoped3A_51, %mul3A_49] : memref<3x2x160000xi32, #tpu.memory_space<hbm>> -> memref<1x1x128xi32, #tpu.memory_space<hbm>>
      %dma_start3A_139 = tpu.memref_squeeze %dma_start3A_138 : memref<1x1x128xi32, #tpu.memory_space<hbm>> -> memref<128xi32, #tpu.memory_space<hbm>>
      %dma_start3A_140 = tpu.memref_slice %arg3[%run_scoped3A_50, %run_scoped3A_51, %mul3A_49] : memref<3x2x160000xi32, #tpu.memory_space<hbm>> -> memref<1x1x128xi32, #tpu.memory_space<hbm>>
      %dma_start3A_141 = tpu.memref_squeeze %dma_start3A_140 : memref<1x1x128xi32, #tpu.memory_space<hbm>> -> memref<128xi32, #tpu.memory_space<hbm>>
      tpu.enqueue_dma source(%dma_start3A_141 : memref<128xi32, #tpu.memory_space<hbm>>) target(%arg10 : memref<128xi32, #tpu.memory_space<vmem>>) target_semaphore(%run_scoped3A_137 : memref<!tpu.dma_semaphore, #tpu.memory_space<semaphore_mem>>)
      %dma_wait3A_142 = tpu.memref_slice %arg3[%run_scoped3A_50, %run_scoped3A_51, %mul3A_49] : memref<3x2x160000xi32, #tpu.memory_space<hbm>> -> memref<1x1x128xi32, #tpu.memory_space<hbm>>
      %dma_wait3A_143 = tpu.memref_squeeze %dma_wait3A_142 : memref<1x1x128xi32, #tpu.memory_space<hbm>> -> memref<128xi32, #tpu.memory_space<hbm>>
      %dma_wait3A_144 = tpu.memref_slice %arg3[%run_scoped3A_50, %run_scoped3A_51, %mul3A_49] : memref<3x2x160000xi32, #tpu.memory_space<hbm>> -> memref<1x1x128xi32, #tpu.memory_space<hbm>>
      %dma_wait3A_145 = tpu.memref_squeeze %dma_wait3A_144 : memref<1x1x128xi32, #tpu.memory_space<hbm>> -> memref<128xi32, #tpu.memory_space<hbm>>
      tpu.wait_dma2 semaphore(%run_scoped3A_137 : memref<!tpu.dma_semaphore, #tpu.memory_space<semaphore_mem>>) src(%dma_wait3A_145 : memref<128xi32, #tpu.memory_space<hbm>>) dst(%arg10 : memref<128xi32, #tpu.memory_space<vmem>>)
      tpu.yield
    }) : () -> ()
    %run_scoped3A_52 = arith.constant 1 : i32
    %run_scoped3A_53 = arith.constant 1 : i32
    "tpu.region"() ({
      %run_scoped3A_137 = tpu.sem_alloc : memref<!tpu.dma_semaphore, #tpu.memory_space<semaphore_mem>>
      %dma_start3A_138 = tpu.memref_slice %arg3[%run_scoped3A_52, %run_scoped3A_53, %mul3A_49] : memref<3x2x160000xi32, #tpu.memory_space<hbm>> -> memref<1x1x128xi32, #tpu.memory_space<hbm>>
      %dma_start3A_139 = tpu.memref_squeeze %dma_start3A_138 : memref<1x1x128xi32, #tpu.memory_space<hbm>> -> memref<128xi32, #tpu.memory_space<hbm>>
      %dma_start3A_140 = tpu.memref_slice %arg3[%run_scoped3A_52, %run_scoped3A_53, %mul3A_49] : memref<3x2x160000xi32, #tpu.memory_space<hbm>> -> memref<1x1x128xi32, #tpu.memory_space<hbm>>
      %dma_start3A_141 = tpu.memref_squeeze %dma_start3A_140 : memref<1x1x128xi32, #tpu.memory_space<hbm>> -> memref<128xi32, #tpu.memory_space<hbm>>
      tpu.enqueue_dma source(%dma_start3A_141 : memref<128xi32, #tpu.memory_space<hbm>>) target(%arg13 : memref<128xi32, #tpu.memory_space<vmem>>) target_semaphore(%run_scoped3A_137 : memref<!tpu.dma_semaphore, #tpu.memory_space<semaphore_mem>>)
      %dma_wait3A_142 = tpu.memref_slice %arg3[%run_scoped3A_52, %run_scoped3A_53, %mul3A_49] : memref<3x2x160000xi32, #tpu.memory_space<hbm>> -> memref<1x1x128xi32, #tpu.memory_space<hbm>>
      %dma_wait3A_143 = tpu.memref_squeeze %dma_wait3A_142 : memref<1x1x128xi32, #tpu.memory_space<hbm>> -> memref<128xi32, #tpu.memory_space<hbm>>
      %dma_wait3A_144 = tpu.memref_slice %arg3[%run_scoped3A_52, %run_scoped3A_53, %mul3A_49] : memref<3x2x160000xi32, #tpu.memory_space<hbm>> -> memref<1x1x128xi32, #tpu.memory_space<hbm>>
      %dma_wait3A_145 = tpu.memref_squeeze %dma_wait3A_144 : memref<1x1x128xi32, #tpu.memory_space<hbm>> -> memref<128xi32, #tpu.memory_space<hbm>>
      tpu.wait_dma2 semaphore(%run_scoped3A_137 : memref<!tpu.dma_semaphore, #tpu.memory_space<semaphore_mem>>) src(%dma_wait3A_145 : memref<128xi32, #tpu.memory_space<hbm>>) dst(%arg13 : memref<128xi32, #tpu.memory_space<vmem>>)
      tpu.yield
    }) : () -> ()
    %dma_start3A_54 = arith.constant 0 : i32
    %dma_start3A_55 = arith.constant 0 : i32
    %dma_start3A_56 = tpu.memref_slice %arg2[%dma_start3A_54, %dma_start3A_55] : memref<10000x128xf32, #tpu.memory_space<hbm>> -> memref<10000x128xf32, #tpu.memory_space<hbm>>
    tpu.enqueue_indirect_dma source(%dma_start3A_56 : memref<10000x128xf32, #tpu.memory_space<hbm>>) target(%arg7 : memref<128x128xf32, #tpu.memory_space<vmem>>) offsets(%arg10 : memref<128xi32, #tpu.memory_space<vmem>>) semaphore(%arg16 : memref<!tpu.dma_semaphore, #tpu.memory_space<semaphore_mem>>)
    %add3A_57 = arith.constant 1 : i32
    %add3A_58 = arith.addi %add3A_4, %add3A_57 : i32
    %mul3A_59 = arith.constant 128 : i32
    %mul3A_60 = arith.muli %add3A_58, %mul3A_59 : i32
    %run_scoped3A_61 = arith.constant 1 : i32
    %run_scoped3A_62 = arith.constant 0 : i32
    "tpu.region"() ({
      %run_scoped3A_137 = tpu.sem_alloc : memref<!tpu.dma_semaphore, #tpu.memory_space<semaphore_mem>>
      %dma_start3A_138 = tpu.memref_slice %arg3[%run_scoped3A_61, %run_scoped3A_62, %mul3A_60] : memref<3x2x160000xi32, #tpu.memory_space<hbm>> -> memref<1x1x128xi32, #tpu.memory_space<hbm>>
      %dma_start3A_139 = tpu.memref_squeeze %dma_start3A_138 : memref<1x1x128xi32, #tpu.memory_space<hbm>> -> memref<128xi32, #tpu.memory_space<hbm>>
      %dma_start3A_140 = tpu.memref_slice %arg3[%run_scoped3A_61, %run_scoped3A_62, %mul3A_60] : memref<3x2x160000xi32, #tpu.memory_space<hbm>> -> memref<1x1x128xi32, #tpu.memory_space<hbm>>
      %dma_start3A_141 = tpu.memref_squeeze %dma_start3A_140 : memref<1x1x128xi32, #tpu.memory_space<hbm>> -> memref<128xi32, #tpu.memory_space<hbm>>
      tpu.enqueue_dma source(%dma_start3A_141 : memref<128xi32, #tpu.memory_space<hbm>>) target(%arg11 : memref<128xi32, #tpu.memory_space<vmem>>) target_semaphore(%run_scoped3A_137 : memref<!tpu.dma_semaphore, #tpu.memory_space<semaphore_mem>>)
      %dma_wait3A_142 = tpu.memref_slice %arg3[%run_scoped3A_61, %run_scoped3A_62, %mul3A_60] : memref<3x2x160000xi32, #tpu.memory_space<hbm>> -> memref<1x1x128xi32, #tpu.memory_space<hbm>>
      %dma_wait3A_143 = tpu.memref_squeeze %dma_wait3A_142 : memref<1x1x128xi32, #tpu.memory_space<hbm>> -> memref<128xi32, #tpu.memory_space<hbm>>
      %dma_wait3A_144 = tpu.memref_slice %arg3[%run_scoped3A_61, %run_scoped3A_62, %mul3A_60] : memref<3x2x160000xi32, #tpu.memory_space<hbm>> -> memref<1x1x128xi32, #tpu.memory_space<hbm>>
      %dma_wait3A_145 = tpu.memref_squeeze %dma_wait3A_144 : memref<1x1x128xi32, #tpu.memory_space<hbm>> -> memref<128xi32, #tpu.memory_space<hbm>>
      tpu.wait_dma2 semaphore(%run_scoped3A_137 : memref<!tpu.dma_semaphore, #tpu.memory_space<semaphore_mem>>) src(%dma_wait3A_145 : memref<128xi32, #tpu.memory_space<hbm>>) dst(%arg11 : memref<128xi32, #tpu.memory_space<vmem>>)
      tpu.yield
    }) : () -> ()
    %run_scoped3A_63 = arith.constant 1 : i32
    %run_scoped3A_64 = arith.constant 1 : i32
    "tpu.region"() ({
      %run_scoped3A_137 = tpu.sem_alloc : memref<!tpu.dma_semaphore, #tpu.memory_space<semaphore_mem>>
      %dma_start3A_138 = tpu.memref_slice %arg3[%run_scoped3A_63, %run_scoped3A_64, %mul3A_60] : memref<3x2x160000xi32, #tpu.memory_space<hbm>> -> memref<1x1x128xi32, #tpu.memory_space<hbm>>
      %dma_start3A_139 = tpu.memref_squeeze %dma_start3A_138 : memref<1x1x128xi32, #tpu.memory_space<hbm>> -> memref<128xi32, #tpu.memory_space<hbm>>
      %dma_start3A_140 = tpu.memref_slice %arg3[%run_scoped3A_63, %run_scoped3A_64, %mul3A_60] : memref<3x2x160000xi32, #tpu.memory_space<hbm>> -> memref<1x1x128xi32, #tpu.memory_space<hbm>>
      %dma_start3A_141 = tpu.memref_squeeze %dma_start3A_140 : memref<1x1x128xi32, #tpu.memory_space<hbm>> -> memref<128xi32, #tpu.memory_space<hbm>>
      tpu.enqueue_dma source(%dma_start3A_141 : memref<128xi32, #tpu.memory_space<hbm>>) target(%arg14 : memref<128xi32, #tpu.memory_space<vmem>>) target_semaphore(%run_scoped3A_137 : memref<!tpu.dma_semaphore, #tpu.memory_space<semaphore_mem>>)
      %dma_wait3A_142 = tpu.memref_slice %arg3[%run_scoped3A_63, %run_scoped3A_64, %mul3A_60] : memref<3x2x160000xi32, #tpu.memory_space<hbm>> -> memref<1x1x128xi32, #tpu.memory_space<hbm>>
      %dma_wait3A_143 = tpu.memref_squeeze %dma_wait3A_142 : memref<1x1x128xi32, #tpu.memory_space<hbm>> -> memref<128xi32, #tpu.memory_space<hbm>>
      %dma_wait3A_144 = tpu.memref_slice %arg3[%run_scoped3A_63, %run_scoped3A_64, %mul3A_60] : memref<3x2x160000xi32, #tpu.memory_space<hbm>> -> memref<1x1x128xi32, #tpu.memory_space<hbm>>
      %dma_wait3A_145 = tpu.memref_squeeze %dma_wait3A_144 : memref<1x1x128xi32, #tpu.memory_space<hbm>> -> memref<128xi32, #tpu.memory_space<hbm>>
      tpu.wait_dma2 semaphore(%run_scoped3A_137 : memref<!tpu.dma_semaphore, #tpu.memory_space<semaphore_mem>>) src(%dma_wait3A_145 : memref<128xi32, #tpu.memory_space<hbm>>) dst(%arg14 : memref<128xi32, #tpu.memory_space<vmem>>)
      tpu.yield
    }) : () -> ()
    %dma_start3A_65 = arith.constant 0 : i32
    %dma_start3A_66 = arith.constant 0 : i32
    %dma_start3A_67 = tpu.memref_slice %arg2[%dma_start3A_65, %dma_start3A_66] : memref<10000x128xf32, #tpu.memory_space<hbm>> -> memref<10000x128xf32, #tpu.memory_space<hbm>>
    tpu.enqueue_indirect_dma source(%dma_start3A_67 : memref<10000x128xf32, #tpu.memory_space<hbm>>) target(%arg8 : memref<128x128xf32, #tpu.memory_space<vmem>>) offsets(%arg11 : memref<128xi32, #tpu.memory_space<vmem>>) semaphore(%arg17 : memref<!tpu.dma_semaphore, #tpu.memory_space<semaphore_mem>>)
    %scan3A_68 = arith.constant 0 : i32
    %scan3A_69 = arith.constant 13 : i32
    %scan3A_70 = arith.addi %scan3A_68, %scan3A_69 : i32
    %scan3A_71 = arith.constant 1 : i32
    scf.for %scan3A_137 = %scan3A_68 to %scan3A_70 step %scan3A_71  : i32 {
      %mul3A_138 = arith.constant 3 : i32
      %mul3A_139 = arith.muli %scan3A_137, %mul3A_138 : i32
      %add3A_140 = arith.constant 0 : i32
      %add3A_141 = arith.addi %add3A_140, %mul3A_139 : i32
      %add3A_142 = arith.constant 0 : i32
      %add3A_143 = arith.addi %add3A_141, %add3A_142 : i32
      %dma_wait3A_144 = arith.constant 0 : i32
      %dma_wait3A_145 = arith.constant 0 : i32
      %dma_wait3A_146 = tpu.memref_slice %arg2[%dma_wait3A_144, %dma_wait3A_145] : memref<10000x128xf32, #tpu.memory_space<hbm>> -> memref<10000x128xf32, #tpu.memory_space<hbm>>
      tpu.wait_indirect_dma semaphore(%arg16 : memref<!tpu.dma_semaphore, #tpu.memory_space<semaphore_mem>>) src(%dma_wait3A_146 : memref<10000x128xf32, #tpu.memory_space<hbm>>) dst(%arg7 : memref<128x128xf32, #tpu.memory_space<vmem>>)
      %dma_start3A_147 = arith.constant 0 : i32
      %dma_start3A_148 = arith.constant 0 : i32
      %dma_start3A_149 = tpu.memref_slice %arg6[%dma_start3A_147, %dma_start3A_148] : memref<10112x128xf32, #tpu.memory_space<vmem_shared>> -> memref<10112x128xf32, #tpu.memory_space<vmem_shared>>
      tpu.enqueue_indirect_dma source(%arg7 : memref<128x128xf32, #tpu.memory_space<vmem>>) target(%dma_start3A_149 : memref<10112x128xf32, #tpu.memory_space<vmem_shared>>) offsets(%arg13 : memref<128xi32, #tpu.memory_space<vmem>>) semaphore(%arg19 : memref<!tpu.dma_semaphore, #tpu.memory_space<semaphore_mem>>) {add = true}
      %add3A_150 = arith.constant 2 : i32
      %add3A_151 = arith.addi %add3A_143, %add3A_150 : i32
      %lt3A_152 = arith.constant 39 : i32
      %lt3A_153 = arith.cmpi slt, %add3A_151, %lt3A_152 : i32
      %convert_element_type3A_154 = arith.extui %lt3A_153 : i1 to i32
      %cond3A_155 = arith.constant 0 : i32
      %cond3A_156 = arith.cmpi ne, %convert_element_type3A_154, %cond3A_155 : i32
      scf.if %cond3A_156 {
        %ge3A = arith.constant 1 : i32
        %ge3A_187 = arith.cmpi sge, %add3A_143, %ge3A : i32
        %convert_element_type3A_188 = arith.extui %ge3A_187 : i1 to i32
        %cond3A_189 = arith.constant 0 : i32
        %cond3A_190 = arith.cmpi ne, %convert_element_type3A_188, %cond3A_189 : i32
        scf.if %cond3A_190 {
          %dma_wait3A_203 = arith.constant 0 : i32
          %dma_wait3A_204 = arith.constant 0 : i32
          %dma_wait3A_205 = tpu.memref_slice %arg6[%dma_wait3A_203, %dma_wait3A_204] : memref<10112x128xf32, #tpu.memory_space<vmem_shared>> -> memref<10112x128xf32, #tpu.memory_space<vmem_shared>>
          tpu.wait_indirect_dma semaphore(%arg21 : memref<!tpu.dma_semaphore, #tpu.memory_space<semaphore_mem>>) src(%arg9 : memref<128x128xf32, #tpu.memory_space<vmem>>) dst(%dma_wait3A_205 : memref<10112x128xf32, #tpu.memory_space<vmem_shared>>)
        } else {
        }
        %add3A_191 = arith.constant 2 : i32
        %add3A_192 = arith.addi %add3A_143, %add3A_191 : i32
        %add3A_193 = arith.addi %add3A_4, %add3A_192 : i32
        %mul3A_194 = arith.constant 128 : i32
        %mul3A_195 = arith.muli %add3A_193, %mul3A_194 : i32
        %run_scoped3A_196 = arith.constant 1 : i32
        %run_scoped3A_197 = arith.constant 0 : i32
        "tpu.region"() ({
          %run_scoped3A_203 = tpu.sem_alloc : memref<!tpu.dma_semaphore, #tpu.memory_space<semaphore_mem>>
          %dma_start3A_204 = tpu.memref_slice %arg3[%run_scoped3A_196, %run_scoped3A_197, %mul3A_195] : memref<3x2x160000xi32, #tpu.memory_space<hbm>> -> memref<1x1x128xi32, #tpu.memory_space<hbm>>
          %dma_start3A_205 = tpu.memref_squeeze %dma_start3A_204 : memref<1x1x128xi32, #tpu.memory_space<hbm>> -> memref<128xi32, #tpu.memory_space<hbm>>
          %dma_start3A_206 = tpu.memref_slice %arg3[%run_scoped3A_196, %run_scoped3A_197, %mul3A_195] : memref<3x2x160000xi32, #tpu.memory_space<hbm>> -> memref<1x1x128xi32, #tpu.memory_space<hbm>>
          %dma_start3A_207 = tpu.memref_squeeze %dma_start3A_206 : memref<1x1x128xi32, #tpu.memory_space<hbm>> -> memref<128xi32, #tpu.memory_space<hbm>>
          tpu.enqueue_dma source(%dma_start3A_207 : memref<128xi32, #tpu.memory_space<hbm>>) target(%arg12 : memref<128xi32, #tpu.memory_space<vmem>>) target_semaphore(%run_scoped3A_203 : memref<!tpu.dma_semaphore, #tpu.memory_space<semaphore_mem>>)
          %dma_wait3A_208 = tpu.memref_slice %arg3[%run_scoped3A_196, %run_scoped3A_197, %mul3A_195] : memref<3x2x160000xi32, #tpu.memory_space<hbm>> -> memref<1x1x128xi32, #tpu.memory_space<hbm>>
          %dma_wait3A_209 = tpu.memref_squeeze %dma_wait3A_208 : memref<1x1x128xi32, #tpu.memory_space<hbm>> -> memref<128xi32, #tpu.memory_space<hbm>>
          %dma_wait3A_210 = tpu.memref_slice %arg3[%run_scoped3A_196, %run_scoped3A_197, %mul3A_195] : memref<3x2x160000xi32, #tpu.memory_space<hbm>> -> memref<1x1x128xi32, #tpu.memory_space<hbm>>
          %dma_wait3A_211 = tpu.memref_squeeze %dma_wait3A_210 : memref<1x1x128xi32, #tpu.memory_space<hbm>> -> memref<128xi32, #tpu.memory_space<hbm>>
          tpu.wait_dma2 semaphore(%run_scoped3A_203 : memref<!tpu.dma_semaphore, #tpu.memory_space<semaphore_mem>>) src(%dma_wait3A_211 : memref<128xi32, #tpu.memory_space<hbm>>) dst(%arg12 : memref<128xi32, #tpu.memory_space<vmem>>)
          tpu.yield
        }) : () -> ()
        %run_scoped3A_198 = arith.constant 1 : i32
        %run_scoped3A_199 = arith.constant 1 : i32
        "tpu.region"() ({
          %run_scoped3A_203 = tpu.sem_alloc : memref<!tpu.dma_semaphore, #tpu.memory_space<semaphore_mem>>
          %dma_start3A_204 = tpu.memref_slice %arg3[%run_scoped3A_198, %run_scoped3A_199, %mul3A_195] : memref<3x2x160000xi32, #tpu.memory_space<hbm>> -> memref<1x1x128xi32, #tpu.memory_space<hbm>>
          %dma_start3A_205 = tpu.memref_squeeze %dma_start3A_204 : memref<1x1x128xi32, #tpu.memory_space<hbm>> -> memref<128xi32, #tpu.memory_space<hbm>>
          %dma_start3A_206 = tpu.memref_slice %arg3[%run_scoped3A_198, %run_scoped3A_199, %mul3A_195] : memref<3x2x160000xi32, #tpu.memory_space<hbm>> -> memref<1x1x128xi32, #tpu.memory_space<hbm>>
          %dma_start3A_207 = tpu.memref_squeeze %dma_start3A_206 : memref<1x1x128xi32, #tpu.memory_space<hbm>> -> memref<128xi32, #tpu.memory_space<hbm>>
          tpu.enqueue_dma source(%dma_start3A_207 : memref<128xi32, #tpu.memory_space<hbm>>) target(%arg15 : memref<128xi32, #tpu.memory_space<vmem>>) target_semaphore(%run_scoped3A_203 : memref<!tpu.dma_semaphore, #tpu.memory_space<semaphore_mem>>)
          %dma_wait3A_208 = tpu.memref_slice %arg3[%run_scoped3A_198, %run_scoped3A_199, %mul3A_195] : memref<3x2x160000xi32, #tpu.memory_space<hbm>> -> memref<1x1x128xi32, #tpu.memory_space<hbm>>
          %dma_wait3A_209 = tpu.memref_squeeze %dma_wait3A_208 : memref<1x1x128xi32, #tpu.memory_space<hbm>> -> memref<128xi32, #tpu.memory_space<hbm>>
          %dma_wait3A_210 = tpu.memref_slice %arg3[%run_scoped3A_198, %run_scoped3A_199, %mul3A_195] : memref<3x2x160000xi32, #tpu.memory_space<hbm>> -> memref<1x1x128xi32, #tpu.memory_space<hbm>>
          %dma_wait3A_211 = tpu.memref_squeeze %dma_wait3A_210 : memref<1x1x128xi32, #tpu.memory_space<hbm>> -> memref<128xi32, #tpu.memory_space<hbm>>
          tpu.wait_dma2 semaphore(%run_scoped3A_203 : memref<!tpu.dma_semaphore, #tpu.memory_space<semaphore_mem>>) src(%dma_wait3A_211 : memref<128xi32, #tpu.memory_space<hbm>>) dst(%arg15 : memref<128xi32, #tpu.memory_space<vmem>>)
          tpu.yield
        }) : () -> ()
        %dma_start3A_200 = arith.constant 0 : i32
        %dma_start3A_201 = arith.constant 0 : i32
        %dma_start3A_202 = tpu.memref_slice %arg2[%dma_start3A_200, %dma_start3A_201] : memref<10000x128xf32, #tpu.memory_space<hbm>> -> memref<10000x128xf32, #tpu.memory_space<hbm>>
        tpu.enqueue_indirect_dma source(%dma_start3A_202 : memref<10000x128xf32, #tpu.memory_space<hbm>>) target(%arg9 : memref<128x128xf32, #tpu.memory_space<vmem>>) offsets(%arg12 : memref<128xi32, #tpu.memory_space<vmem>>) semaphore(%arg18 : memref<!tpu.dma_semaphore, #tpu.memory_space<semaphore_mem>>)
      } else {
      }
      %add3A_157 = arith.constant 1 : i32
      %add3A_158 = arith.addi %add3A_141, %add3A_157 : i32
      %dma_wait3A_159 = arith.constant 0 : i32
      %dma_wait3A_160 = arith.constant 0 : i32
      %dma_wait3A_161 = tpu.memref_slice %arg2[%dma_wait3A_159, %dma_wait3A_160] : memref<10000x128xf32, #tpu.memory_space<hbm>> -> memref<10000x128xf32, #tpu.memory_space<hbm>>
      tpu.wait_indirect_dma semaphore(%arg17 : memref<!tpu.dma_semaphore, #tpu.memory_space<semaphore_mem>>) src(%dma_wait3A_161 : memref<10000x128xf32, #tpu.memory_space<hbm>>) dst(%arg8 : memref<128x128xf32, #tpu.memory_space<vmem>>)
      %dma_start3A_162 = arith.constant 0 : i32
      %dma_start3A_163 = arith.constant 0 : i32
      %dma_start3A_164 = tpu.memref_slice %arg6[%dma_start3A_162, %dma_start3A_163] : memref<10112x128xf32, #tpu.memory_space<vmem_shared>> -> memref<10112x128xf32, #tpu.memory_space<vmem_shared>>
      tpu.enqueue_indirect_dma source(%arg8 : memref<128x128xf32, #tpu.memory_space<vmem>>) target(%dma_start3A_164 : memref<10112x128xf32, #tpu.memory_space<vmem_shared>>) offsets(%arg14 : memref<128xi32, #tpu.memory_space<vmem>>) semaphore(%arg20 : memref<!tpu.dma_semaphore, #tpu.memory_space<semaphore_mem>>) {add = true}
      %add3A_165 = arith.constant 2 : i32
      %add3A_166 = arith.addi %add3A_158, %add3A_165 : i32
      %lt3A_167 = arith.constant 39 : i32
      %lt3A_168 = arith.cmpi slt, %add3A_166, %lt3A_167 : i32
      %convert_element_type3A_169 = arith.extui %lt3A_168 : i1 to i32
      %cond3A_170 = arith.constant 0 : i32
      %cond3A_171 = arith.cmpi ne, %convert_element_type3A_169, %cond3A_170 : i32
      scf.if %cond3A_171 {
        %ge3A = arith.constant 1 : i32
        %ge3A_187 = arith.cmpi sge, %add3A_158, %ge3A : i32
        %convert_element_type3A_188 = arith.extui %ge3A_187 : i1 to i32
        %cond3A_189 = arith.constant 0 : i32
        %cond3A_190 = arith.cmpi ne, %convert_element_type3A_188, %cond3A_189 : i32
        scf.if %cond3A_190 {
          %dma_wait3A_203 = arith.constant 0 : i32
          %dma_wait3A_204 = arith.constant 0 : i32
          %dma_wait3A_205 = tpu.memref_slice %arg6[%dma_wait3A_203, %dma_wait3A_204] : memref<10112x128xf32, #tpu.memory_space<vmem_shared>> -> memref<10112x128xf32, #tpu.memory_space<vmem_shared>>
          tpu.wait_indirect_dma semaphore(%arg19 : memref<!tpu.dma_semaphore, #tpu.memory_space<semaphore_mem>>) src(%arg7 : memref<128x128xf32, #tpu.memory_space<vmem>>) dst(%dma_wait3A_205 : memref<10112x128xf32, #tpu.memory_space<vmem_shared>>)
        } else {
        }
        %add3A_191 = arith.constant 2 : i32
        %add3A_192 = arith.addi %add3A_158, %add3A_191 : i32
        %add3A_193 = arith.addi %add3A_4, %add3A_192 : i32
        %mul3A_194 = arith.constant 128 : i32
        %mul3A_195 = arith.muli %add3A_193, %mul3A_194 : i32
        %run_scoped3A_196 = arith.constant 1 : i32
        %run_scoped3A_197 = arith.constant 0 : i32
        "tpu.region"() ({
          %run_scoped3A_203 = tpu.sem_alloc : memref<!tpu.dma_semaphore, #tpu.memory_space<semaphore_mem>>
          %dma_start3A_204 = tpu.memref_slice %arg3[%run_scoped3A_196, %run_scoped3A_197, %mul3A_195] : memref<3x2x160000xi32, #tpu.memory_space<hbm>> -> memref<1x1x128xi32, #tpu.memory_space<hbm>>
          %dma_start3A_205 = tpu.memref_squeeze %dma_start3A_204 : memref<1x1x128xi32, #tpu.memory_space<hbm>> -> memref<128xi32, #tpu.memory_space<hbm>>
          %dma_start3A_206 = tpu.memref_slice %arg3[%run_scoped3A_196, %run_scoped3A_197, %mul3A_195] : memref<3x2x160000xi32, #tpu.memory_space<hbm>> -> memref<1x1x128xi32, #tpu.memory_space<hbm>>
          %dma_start3A_207 = tpu.memref_squeeze %dma_start3A_206 : memref<1x1x128xi32, #tpu.memory_space<hbm>> -> memref<128xi32, #tpu.memory_space<hbm>>
          tpu.enqueue_dma source(%dma_start3A_207 : memref<128xi32, #tpu.memory_space<hbm>>) target(%arg10 : memref<128xi32, #tpu.memory_space<vmem>>) target_semaphore(%run_scoped3A_203 : memref<!tpu.dma_semaphore, #tpu.memory_space<semaphore_mem>>)
          %dma_wait3A_208 = tpu.memref_slice %arg3[%run_scoped3A_196, %run_scoped3A_197, %mul3A_195] : memref<3x2x160000xi32, #tpu.memory_space<hbm>> -> memref<1x1x128xi32, #tpu.memory_space<hbm>>
          %dma_wait3A_209 = tpu.memref_squeeze %dma_wait3A_208 : memref<1x1x128xi32, #tpu.memory_space<hbm>> -> memref<128xi32, #tpu.memory_space<hbm>>
          %dma_wait3A_210 = tpu.memref_slice %arg3[%run_scoped3A_196, %run_scoped3A_197, %mul3A_195] : memref<3x2x160000xi32, #tpu.memory_space<hbm>> -> memref<1x1x128xi32, #tpu.memory_space<hbm>>
          %dma_wait3A_211 = tpu.memref_squeeze %dma_wait3A_210 : memref<1x1x128xi32, #tpu.memory_space<hbm>> -> memref<128xi32, #tpu.memory_space<hbm>>
          tpu.wait_dma2 semaphore(%run_scoped3A_203 : memref<!tpu.dma_semaphore, #tpu.memory_space<semaphore_mem>>) src(%dma_wait3A_211 : memref<128xi32, #tpu.memory_space<hbm>>) dst(%arg10 : memref<128xi32, #tpu.memory_space<vmem>>)
          tpu.yield
        }) : () -> ()
        %run_scoped3A_198 = arith.constant 1 : i32
        %run_scoped3A_199 = arith.constant 1 : i32
        "tpu.region"() ({
          %run_scoped3A_203 = tpu.sem_alloc : memref<!tpu.dma_semaphore, #tpu.memory_space<semaphore_mem>>
          %dma_start3A_204 = tpu.memref_slice %arg3[%run_scoped3A_198, %run_scoped3A_199, %mul3A_195] : memref<3x2x160000xi32, #tpu.memory_space<hbm>> -> memref<1x1x128xi32, #tpu.memory_space<hbm>>
          %dma_start3A_205 = tpu.memref_squeeze %dma_start3A_204 : memref<1x1x128xi32, #tpu.memory_space<hbm>> -> memref<128xi32, #tpu.memory_space<hbm>>
          %dma_start3A_206 = tpu.memref_slice %arg3[%run_scoped3A_198, %run_scoped3A_199, %mul3A_195] : memref<3x2x160000xi32, #tpu.memory_space<hbm>> -> memref<1x1x128xi32, #tpu.memory_space<hbm>>
          %dma_start3A_207 = tpu.memref_squeeze %dma_start3A_206 : memref<1x1x128xi32, #tpu.memory_space<hbm>> -> memref<128xi32, #tpu.memory_space<hbm>>
          tpu.enqueue_dma source(%dma_start3A_207 : memref<128xi32, #tpu.memory_space<hbm>>) target(%arg13 : memref<128xi32, #tpu.memory_space<vmem>>) target_semaphore(%run_scoped3A_203 : memref<!tpu.dma_semaphore, #tpu.memory_space<semaphore_mem>>)
          %dma_wait3A_208 = tpu.memref_slice %arg3[%run_scoped3A_198, %run_scoped3A_199, %mul3A_195] : memref<3x2x160000xi32, #tpu.memory_space<hbm>> -> memref<1x1x128xi32, #tpu.memory_space<hbm>>
          %dma_wait3A_209 = tpu.memref_squeeze %dma_wait3A_208 : memref<1x1x128xi32, #tpu.memory_space<hbm>> -> memref<128xi32, #tpu.memory_space<hbm>>
          %dma_wait3A_210 = tpu.memref_slice %arg3[%run_scoped3A_198, %run_scoped3A_199, %mul3A_195] : memref<3x2x160000xi32, #tpu.memory_space<hbm>> -> memref<1x1x128xi32, #tpu.memory_space<hbm>>
          %dma_wait3A_211 = tpu.memref_squeeze %dma_wait3A_210 : memref<1x1x128xi32, #tpu.memory_space<hbm>> -> memref<128xi32, #tpu.memory_space<hbm>>
          tpu.wait_dma2 semaphore(%run_scoped3A_203 : memref<!tpu.dma_semaphore, #tpu.memory_space<semaphore_mem>>) src(%dma_wait3A_211 : memref<128xi32, #tpu.memory_space<hbm>>) dst(%arg13 : memref<128xi32, #tpu.memory_space<vmem>>)
          tpu.yield
        }) : () -> ()
        %dma_start3A_200 = arith.constant 0 : i32
        %dma_start3A_201 = arith.constant 0 : i32
        %dma_start3A_202 = tpu.memref_slice %arg2[%dma_start3A_200, %dma_start3A_201] : memref<10000x128xf32, #tpu.memory_space<hbm>> -> memref<10000x128xf32, #tpu.memory_space<hbm>>
        tpu.enqueue_indirect_dma source(%dma_start3A_202 : memref<10000x128xf32, #tpu.memory_space<hbm>>) target(%arg7 : memref<128x128xf32, #tpu.memory_space<vmem>>) offsets(%arg10 : memref<128xi32, #tpu.memory_space<vmem>>) semaphore(%arg16 : memref<!tpu.dma_semaphore, #tpu.memory_space<semaphore_mem>>)
      } else {
      }
      %add3A_172 = arith.constant 2 : i32
      %add3A_173 = arith.addi %add3A_141, %add3A_172 : i32
      %dma_wait3A_174 = arith.constant 0 : i32
      %dma_wait3A_175 = arith.constant 0 : i32
      %dma_wait3A_176 = tpu.memref_slice %arg2[%dma_wait3A_174, %dma_wait3A_175] : memref<10000x128xf32, #tpu.memory_space<hbm>> -> memref<10000x128xf32, #tpu.memory_space<hbm>>
      tpu.wait_indirect_dma semaphore(%arg18 : memref<!tpu.dma_semaphore, #tpu.memory_space<semaphore_mem>>) src(%dma_wait3A_176 : memref<10000x128xf32, #tpu.memory_space<hbm>>) dst(%arg9 : memref<128x128xf32, #tpu.memory_space<vmem>>)
      %dma_start3A_177 = arith.constant 0 : i32
      %dma_start3A_178 = arith.constant 0 : i32
      %dma_start3A_179 = tpu.memref_slice %arg6[%dma_start3A_177, %dma_start3A_178] : memref<10112x128xf32, #tpu.memory_space<vmem_shared>> -> memref<10112x128xf32, #tpu.memory_space<vmem_shared>>
      tpu.enqueue_indirect_dma source(%arg9 : memref<128x128xf32, #tpu.memory_space<vmem>>) target(%dma_start3A_179 : memref<10112x128xf32, #tpu.memory_space<vmem_shared>>) offsets(%arg15 : memref<128xi32, #tpu.memory_space<vmem>>) semaphore(%arg21 : memref<!tpu.dma_semaphore, #tpu.memory_space<semaphore_mem>>) {add = true}
      %add3A_180 = arith.constant 2 : i32
      %add3A_181 = arith.addi %add3A_173, %add3A_180 : i32
      %lt3A_182 = arith.constant 39 : i32
      %lt3A_183 = arith.cmpi slt, %add3A_181, %lt3A_182 : i32
      %convert_element_type3A_184 = arith.extui %lt3A_183 : i1 to i32
      %cond3A_185 = arith.constant 0 : i32
      %cond3A_186 = arith.cmpi ne, %convert_element_type3A_184, %cond3A_185 : i32
      scf.if %cond3A_186 {
        %ge3A = arith.constant 1 : i32
        %ge3A_187 = arith.cmpi sge, %add3A_173, %ge3A : i32
        %convert_element_type3A_188 = arith.extui %ge3A_187 : i1 to i32
        %cond3A_189 = arith.constant 0 : i32
        %cond3A_190 = arith.cmpi ne, %convert_element_type3A_188, %cond3A_189 : i32
        scf.if %cond3A_190 {
          %dma_wait3A_203 = arith.constant 0 : i32
          %dma_wait3A_204 = arith.constant 0 : i32
          %dma_wait3A_205 = tpu.memref_slice %arg6[%dma_wait3A_203, %dma_wait3A_204] : memref<10112x128xf32, #tpu.memory_space<vmem_shared>> -> memref<10112x128xf32, #tpu.memory_space<vmem_shared>>
          tpu.wait_indirect_dma semaphore(%arg20 : memref<!tpu.dma_semaphore, #tpu.memory_space<semaphore_mem>>) src(%arg8 : memref<128x128xf32, #tpu.memory_space<vmem>>) dst(%dma_wait3A_205 : memref<10112x128xf32, #tpu.memory_space<vmem_shared>>)
        } else {
        }
        %add3A_191 = arith.constant 2 : i32
        %add3A_192 = arith.addi %add3A_173, %add3A_191 : i32
        %add3A_193 = arith.addi %add3A_4, %add3A_192 : i32
        %mul3A_194 = arith.constant 128 : i32
        %mul3A_195 = arith.muli %add3A_193, %mul3A_194 : i32
        %run_scoped3A_196 = arith.constant 1 : i32
        %run_scoped3A_197 = arith.constant 0 : i32
        "tpu.region"() ({
          %run_scoped3A_203 = tpu.sem_alloc : memref<!tpu.dma_semaphore, #tpu.memory_space<semaphore_mem>>
          %dma_start3A_204 = tpu.memref_slice %arg3[%run_scoped3A_196, %run_scoped3A_197, %mul3A_195] : memref<3x2x160000xi32, #tpu.memory_space<hbm>> -> memref<1x1x128xi32, #tpu.memory_space<hbm>>
          %dma_start3A_205 = tpu.memref_squeeze %dma_start3A_204 : memref<1x1x128xi32, #tpu.memory_space<hbm>> -> memref<128xi32, #tpu.memory_space<hbm>>
          %dma_start3A_206 = tpu.memref_slice %arg3[%run_scoped3A_196, %run_scoped3A_197, %mul3A_195] : memref<3x2x160000xi32, #tpu.memory_space<hbm>> -> memref<1x1x128xi32, #tpu.memory_space<hbm>>
          %dma_start3A_207 = tpu.memref_squeeze %dma_start3A_206 : memref<1x1x128xi32, #tpu.memory_space<hbm>> -> memref<128xi32, #tpu.memory_space<hbm>>
          tpu.enqueue_dma source(%dma_start3A_207 : memref<128xi32, #tpu.memory_space<hbm>>) target(%arg11 : memref<128xi32, #tpu.memory_space<vmem>>) target_semaphore(%run_scoped3A_203 : memref<!tpu.dma_semaphore, #tpu.memory_space<semaphore_mem>>)
          %dma_wait3A_208 = tpu.memref_slice %arg3[%run_scoped3A_196, %run_scoped3A_197, %mul3A_195] : memref<3x2x160000xi32, #tpu.memory_space<hbm>> -> memref<1x1x128xi32, #tpu.memory_space<hbm>>
          %dma_wait3A_209 = tpu.memref_squeeze %dma_wait3A_208 : memref<1x1x128xi32, #tpu.memory_space<hbm>> -> memref<128xi32, #tpu.memory_space<hbm>>
          %dma_wait3A_210 = tpu.memref_slice %arg3[%run_scoped3A_196, %run_scoped3A_197, %mul3A_195] : memref<3x2x160000xi32, #tpu.memory_space<hbm>> -> memref<1x1x128xi32, #tpu.memory_space<hbm>>
          %dma_wait3A_211 = tpu.memref_squeeze %dma_wait3A_210 : memref<1x1x128xi32, #tpu.memory_space<hbm>> -> memref<128xi32, #tpu.memory_space<hbm>>
          tpu.wait_dma2 semaphore(%run_scoped3A_203 : memref<!tpu.dma_semaphore, #tpu.memory_space<semaphore_mem>>) src(%dma_wait3A_211 : memref<128xi32, #tpu.memory_space<hbm>>) dst(%arg11 : memref<128xi32, #tpu.memory_space<vmem>>)
          tpu.yield
        }) : () -> ()
        %run_scoped3A_198 = arith.constant 1 : i32
        %run_scoped3A_199 = arith.constant 1 : i32
        "tpu.region"() ({
          %run_scoped3A_203 = tpu.sem_alloc : memref<!tpu.dma_semaphore, #tpu.memory_space<semaphore_mem>>
          %dma_start3A_204 = tpu.memref_slice %arg3[%run_scoped3A_198, %run_scoped3A_199, %mul3A_195] : memref<3x2x160000xi32, #tpu.memory_space<hbm>> -> memref<1x1x128xi32, #tpu.memory_space<hbm>>
          %dma_start3A_205 = tpu.memref_squeeze %dma_start3A_204 : memref<1x1x128xi32, #tpu.memory_space<hbm>> -> memref<128xi32, #tpu.memory_space<hbm>>
          %dma_start3A_206 = tpu.memref_slice %arg3[%run_scoped3A_198, %run_scoped3A_199, %mul3A_195] : memref<3x2x160000xi32, #tpu.memory_space<hbm>> -> memref<1x1x128xi32, #tpu.memory_space<hbm>>
          %dma_start3A_207 = tpu.memref_squeeze %dma_start3A_206 : memref<1x1x128xi32, #tpu.memory_space<hbm>> -> memref<128xi32, #tpu.memory_space<hbm>>
          tpu.enqueue_dma source(%dma_start3A_207 : memref<128xi32, #tpu.memory_space<hbm>>) target(%arg14 : memref<128xi32, #tpu.memory_space<vmem>>) target_semaphore(%run_scoped3A_203 : memref<!tpu.dma_semaphore, #tpu.memory_space<semaphore_mem>>)
          %dma_wait3A_208 = tpu.memref_slice %arg3[%run_scoped3A_198, %run_scoped3A_199, %mul3A_195] : memref<3x2x160000xi32, #tpu.memory_space<hbm>> -> memref<1x1x128xi32, #tpu.memory_space<hbm>>
          %dma_wait3A_209 = tpu.memref_squeeze %dma_wait3A_208 : memref<1x1x128xi32, #tpu.memory_space<hbm>> -> memref<128xi32, #tpu.memory_space<hbm>>
          %dma_wait3A_210 = tpu.memref_slice %arg3[%run_scoped3A_198, %run_scoped3A_199, %mul3A_195] : memref<3x2x160000xi32, #tpu.memory_space<hbm>> -> memref<1x1x128xi32, #tpu.memory_space<hbm>>
          %dma_wait3A_211 = tpu.memref_squeeze %dma_wait3A_210 : memref<1x1x128xi32, #tpu.memory_space<hbm>> -> memref<128xi32, #tpu.memory_space<hbm>>
          tpu.wait_dma2 semaphore(%run_scoped3A_203 : memref<!tpu.dma_semaphore, #tpu.memory_space<semaphore_mem>>) src(%dma_wait3A_211 : memref<128xi32, #tpu.memory_space<hbm>>) dst(%arg14 : memref<128xi32, #tpu.memory_space<vmem>>)
          tpu.yield
        }) : () -> ()
        %dma_start3A_200 = arith.constant 0 : i32
        %dma_start3A_201 = arith.constant 0 : i32
        %dma_start3A_202 = tpu.memref_slice %arg2[%dma_start3A_200, %dma_start3A_201] : memref<10000x128xf32, #tpu.memory_space<hbm>> -> memref<10000x128xf32, #tpu.memory_space<hbm>>
        tpu.enqueue_indirect_dma source(%dma_start3A_202 : memref<10000x128xf32, #tpu.memory_space<hbm>>) target(%arg8 : memref<128x128xf32, #tpu.memory_space<vmem>>) offsets(%arg11 : memref<128xi32, #tpu.memory_space<vmem>>) semaphore(%arg17 : memref<!tpu.dma_semaphore, #tpu.memory_space<semaphore_mem>>)
      } else {
      }
    }
    %scan3A_72 = arith.constant 13 : i32
    %dma_wait3A_73 = arith.constant 0 : i32
    %dma_wait3A_74 = arith.constant 0 : i32
    %dma_wait3A_75 = tpu.memref_slice %arg6[%dma_wait3A_73, %dma_wait3A_74] : memref<10112x128xf32, #tpu.memory_space<vmem_shared>> -> memref<10112x128xf32, #tpu.memory_space<vmem_shared>>
    tpu.wait_indirect_dma semaphore(%arg19 : memref<!tpu.dma_semaphore, #tpu.memory_space<semaphore_mem>>) src(%arg7 : memref<128x128xf32, #tpu.memory_space<vmem>>) dst(%dma_wait3A_75 : memref<10112x128xf32, #tpu.memory_space<vmem_shared>>)
    %dma_wait3A_76 = arith.constant 0 : i32
    %dma_wait3A_77 = arith.constant 0 : i32
    %dma_wait3A_78 = tpu.memref_slice %arg6[%dma_wait3A_76, %dma_wait3A_77] : memref<10112x128xf32, #tpu.memory_space<vmem_shared>> -> memref<10112x128xf32, #tpu.memory_space<vmem_shared>>
    tpu.wait_indirect_dma semaphore(%arg20 : memref<!tpu.dma_semaphore, #tpu.memory_space<semaphore_mem>>) src(%arg8 : memref<128x128xf32, #tpu.memory_space<vmem>>) dst(%dma_wait3A_78 : memref<10112x128xf32, #tpu.memory_space<vmem_shared>>)
    %dma_wait3A_79 = arith.constant 0 : i32
    %dma_wait3A_80 = arith.constant 0 : i32
    %dma_wait3A_81 = tpu.memref_slice %arg6[%dma_wait3A_79, %dma_wait3A_80] : memref<10112x128xf32, #tpu.memory_space<vmem_shared>> -> memref<10112x128xf32, #tpu.memory_space<vmem_shared>>
    tpu.wait_indirect_dma semaphore(%arg21 : memref<!tpu.dma_semaphore, #tpu.memory_space<semaphore_mem>>) src(%arg9 : memref<128x128xf32, #tpu.memory_space<vmem>>) dst(%dma_wait3A_81 : memref<10112x128xf32, #tpu.memory_space<vmem_shared>>)
    %lt3A_82 = arith.constant 2 : i32
    %lt3A_83 = arith.cmpi slt, %add3A, %lt3A_82 : i32
    %convert_element_type3A_84 = arith.extui %lt3A_83 : i1 to i32
    %cond3A_85 = arith.constant 0 : i32
    %cond3A_86 = arith.cmpi ne, %convert_element_type3A_84, %cond3A_85 : i32
    scf.if %cond3A_86 {
      %add3A_137 = arith.constant 39 : i32
      %add3A_138 = arith.addi %add3A_4, %add3A_137 : i32
      %mul3A_139 = arith.constant 128 : i32
      %mul3A_140 = arith.muli %add3A_138, %mul3A_139 : i32
      %run_scoped3A_141 = arith.constant 1 : i32
      %run_scoped3A_142 = arith.constant 0 : i32
      "tpu.region"() ({
        %run_scoped3A_145 = tpu.sem_alloc : memref<!tpu.dma_semaphore, #tpu.memory_space<semaphore_mem>>
        %dma_start3A_146 = tpu.memref_slice %arg3[%run_scoped3A_141, %run_scoped3A_142, %mul3A_140] : memref<3x2x160000xi32, #tpu.memory_space<hbm>> -> memref<1x1x128xi32, #tpu.memory_space<hbm>>
        %dma_start3A_147 = tpu.memref_squeeze %dma_start3A_146 : memref<1x1x128xi32, #tpu.memory_space<hbm>> -> memref<128xi32, #tpu.memory_space<hbm>>
        %dma_start3A_148 = tpu.memref_slice %arg3[%run_scoped3A_141, %run_scoped3A_142, %mul3A_140] : memref<3x2x160000xi32, #tpu.memory_space<hbm>> -> memref<1x1x128xi32, #tpu.memory_space<hbm>>
        %dma_start3A_149 = tpu.memref_squeeze %dma_start3A_148 : memref<1x1x128xi32, #tpu.memory_space<hbm>> -> memref<128xi32, #tpu.memory_space<hbm>>
        tpu.enqueue_dma source(%dma_start3A_149 : memref<128xi32, #tpu.memory_space<hbm>>) target(%arg10 : memref<128xi32, #tpu.memory_space<vmem>>) target_semaphore(%run_scoped3A_145 : memref<!tpu.dma_semaphore, #tpu.memory_space<semaphore_mem>>)
        %dma_wait3A_150 = tpu.memref_slice %arg3[%run_scoped3A_141, %run_scoped3A_142, %mul3A_140] : memref<3x2x160000xi32, #tpu.memory_space<hbm>> -> memref<1x1x128xi32, #tpu.memory_space<hbm>>
        %dma_wait3A_151 = tpu.memref_squeeze %dma_wait3A_150 : memref<1x1x128xi32, #tpu.memory_space<hbm>> -> memref<128xi32, #tpu.memory_space<hbm>>
        %dma_wait3A_152 = tpu.memref_slice %arg3[%run_scoped3A_141, %run_scoped3A_142, %mul3A_140] : memref<3x2x160000xi32, #tpu.memory_space<hbm>> -> memref<1x1x128xi32, #tpu.memory_space<hbm>>
        %dma_wait3A_153 = tpu.memref_squeeze %dma_wait3A_152 : memref<1x1x128xi32, #tpu.memory_space<hbm>> -> memref<128xi32, #tpu.memory_space<hbm>>
        tpu.wait_dma2 semaphore(%run_scoped3A_145 : memref<!tpu.dma_semaphore, #tpu.memory_space<semaphore_mem>>) src(%dma_wait3A_153 : memref<128xi32, #tpu.memory_space<hbm>>) dst(%arg10 : memref<128xi32, #tpu.memory_space<vmem>>)
        tpu.yield
      }) : () -> ()
      %run_scoped3A_143 = arith.constant 1 : i32
      %run_scoped3A_144 = arith.constant 1 : i32
      "tpu.region"() ({
        %run_scoped3A_145 = tpu.sem_alloc : memref<!tpu.dma_semaphore, #tpu.memory_space<semaphore_mem>>
        %dma_start3A_146 = tpu.memref_slice %arg3[%run_scoped3A_143, %run_scoped3A_144, %mul3A_140] : memref<3x2x160000xi32, #tpu.memory_space<hbm>> -> memref<1x1x128xi32, #tpu.memory_space<hbm>>
        %dma_start3A_147 = tpu.memref_squeeze %dma_start3A_146 : memref<1x1x128xi32, #tpu.memory_space<hbm>> -> memref<128xi32, #tpu.memory_space<hbm>>
        %dma_start3A_148 = tpu.memref_slice %arg3[%run_scoped3A_143, %run_scoped3A_144, %mul3A_140] : memref<3x2x160000xi32, #tpu.memory_space<hbm>> -> memref<1x1x128xi32, #tpu.memory_space<hbm>>
        %dma_start3A_149 = tpu.memref_squeeze %dma_start3A_148 : memref<1x1x128xi32, #tpu.memory_space<hbm>> -> memref<128xi32, #tpu.memory_space<hbm>>
        tpu.enqueue_dma source(%dma_start3A_149 : memref<128xi32, #tpu.memory_space<hbm>>) target(%arg13 : memref<128xi32, #tpu.memory_space<vmem>>) target_semaphore(%run_scoped3A_145 : memref<!tpu.dma_semaphore, #tpu.memory_space<semaphore_mem>>)
        %dma_wait3A_150 = tpu.memref_slice %arg3[%run_scoped3A_143, %run_scoped3A_144, %mul3A_140] : memref<3x2x160000xi32, #tpu.memory_space<hbm>> -> memref<1x1x128xi32, #tpu.memory_space<hbm>>
        %dma_wait3A_151 = tpu.memref_squeeze %dma_wait3A_150 : memref<1x1x128xi32, #tpu.memory_space<hbm>> -> memref<128xi32, #tpu.memory_space<hbm>>
        %dma_wait3A_152 = tpu.memref_slice %arg3[%run_scoped3A_143, %run_scoped3A_144, %mul3A_140] : memref<3x2x160000xi32, #tpu.memory_space<hbm>> -> memref<1x1x128xi32, #tpu.memory_space<hbm>>
        %dma_wait3A_153 = tpu.memref_squeeze %dma_wait3A_152 : memref<1x1x128xi32, #tpu.memory_space<hbm>> -> memref<128xi32, #tpu.memory_space<hbm>>
        tpu.wait_dma2 semaphore(%run_scoped3A_145 : memref<!tpu.dma_semaphore, #tpu.memory_space<semaphore_mem>>) src(%dma_wait3A_153 : memref<128xi32, #tpu.memory_space<hbm>>) dst(%arg13 : memref<128xi32, #tpu.memory_space<vmem>>)
        tpu.yield
      }) : () -> ()
      "tpu.region"() ({
        %run_scoped3A_145 = tpu.sem_alloc : memref<!tpu.dma_semaphore, #tpu.memory_space<semaphore_mem>>
        %dma_start3A_146 = arith.constant 0 : i32
        %dma_start3A_147 = arith.constant 0 : i32
        %dma_start3A_148 = tpu.memref_slice %arg2[%dma_start3A_146, %dma_start3A_147] : memref<10000x128xf32, #tpu.memory_space<hbm>> -> memref<10000x128xf32, #tpu.memory_space<hbm>>
        tpu.enqueue_indirect_dma source(%dma_start3A_148 : memref<10000x128xf32, #tpu.memory_space<hbm>>) target(%arg7 : memref<128x128xf32, #tpu.memory_space<vmem>>) offsets(%arg10 : memref<128xi32, #tpu.memory_space<vmem>>) semaphore(%run_scoped3A_145 : memref<!tpu.dma_semaphore, #tpu.memory_space<semaphore_mem>>)
        %dma_wait3A_149 = arith.constant 0 : i32
        %dma_wait3A_150 = arith.constant 0 : i32
        %dma_wait3A_151 = tpu.memref_slice %arg2[%dma_wait3A_149, %dma_wait3A_150] : memref<10000x128xf32, #tpu.memory_space<hbm>> -> memref<10000x128xf32, #tpu.memory_space<hbm>>
        tpu.wait_indirect_dma semaphore(%run_scoped3A_145 : memref<!tpu.dma_semaphore, #tpu.memory_space<semaphore_mem>>) src(%dma_wait3A_151 : memref<10000x128xf32, #tpu.memory_space<hbm>>) dst(%arg7 : memref<128x128xf32, #tpu.memory_space<vmem>>)
        tpu.yield
      }) : () -> ()
      "tpu.region"() ({
        %run_scoped3A_145 = tpu.sem_alloc : memref<!tpu.dma_semaphore, #tpu.memory_space<semaphore_mem>>
        %dma_start3A_146 = arith.constant 0 : i32
        %dma_start3A_147 = arith.constant 0 : i32
        %dma_start3A_148 = tpu.memref_slice %arg6[%dma_start3A_146, %dma_start3A_147] : memref<10112x128xf32, #tpu.memory_space<vmem_shared>> -> memref<10112x128xf32, #tpu.memory_space<vmem_shared>>
        tpu.enqueue_indirect_dma source(%arg7 : memref<128x128xf32, #tpu.memory_space<vmem>>) target(%dma_start3A_148 : memref<10112x128xf32, #tpu.memory_space<vmem_shared>>) offsets(%arg13 : memref<128xi32, #tpu.memory_space<vmem>>) semaphore(%run_scoped3A_145 : memref<!tpu.dma_semaphore, #tpu.memory_space<semaphore_mem>>) {add = true}
        %dma_wait3A_149 = arith.constant 0 : i32
        %dma_wait3A_150 = arith.constant 0 : i32
        %dma_wait3A_151 = tpu.memref_slice %arg6[%dma_wait3A_149, %dma_wait3A_150] : memref<10112x128xf32, #tpu.memory_space<vmem_shared>> -> memref<10112x128xf32, #tpu.memory_space<vmem_shared>>
        tpu.wait_indirect_dma semaphore(%run_scoped3A_145 : memref<!tpu.dma_semaphore, #tpu.memory_space<semaphore_mem>>) src(%arg7 : memref<128x128xf32, #tpu.memory_space<vmem>>) dst(%dma_wait3A_151 : memref<10112x128xf32, #tpu.memory_space<vmem_shared>>)
        tpu.yield
      }) : () -> ()
    } else {
    }
    %barrier3A_87 = arith.constant 0 : index
    tpu.barrier barrier_id(%barrier3A_87)
    %add3A_88 = arith.constant 2 : i32
    %add3A_89 = arith.addi %add3A_88, %arg0 : i32
    "tpu.region"() ({
      %run_scoped3A_137 = tpu.sem_alloc : memref<!tpu.dma_semaphore, #tpu.memory_space<semaphore_mem>>
      %dma_start3A_138 = arith.constant 0 : i32
      %dma_start3A_139 = tpu.memref_slice %arg5[%add3A_89, %mul3A_6, %dma_start3A_138] : memref<6x10112x128xf32, #tpu.memory_space<hbm>> -> memref<1x632x128xf32, #tpu.memory_space<hbm>>
      %dma_start3A_140 = tpu.memref_squeeze %dma_start3A_139 : memref<1x632x128xf32, #tpu.memory_space<hbm>> -> memref<632x128xf32, #tpu.memory_space<hbm>>
      %dma_start3A_141 = arith.constant 0 : i32
      %dma_start3A_142 = tpu.memref_slice %arg6[%mul3A_6, %dma_start3A_141] : memref<10112x128xf32, #tpu.memory_space<vmem_shared>> -> memref<632x128xf32, #tpu.memory_space<vmem_shared>>
      tpu.enqueue_dma source(%dma_start3A_142 : memref<632x128xf32, #tpu.memory_space<vmem_shared>>) target(%dma_start3A_140 : memref<632x128xf32, #tpu.memory_space<hbm>>) target_semaphore(%run_scoped3A_137 : memref<!tpu.dma_semaphore, #tpu.memory_space<semaphore_mem>>)
      %dma_wait3A_143 = arith.constant 0 : i32
      %dma_wait3A_144 = tpu.memref_slice %arg5[%add3A_89, %mul3A_6, %dma_wait3A_143] : memref<6x10112x128xf32, #tpu.memory_space<hbm>> -> memref<1x632x128xf32, #tpu.memory_space<hbm>>
      %dma_wait3A_145 = tpu.memref_squeeze %dma_wait3A_144 : memref<1x632x128xf32, #tpu.memory_space<hbm>> -> memref<632x128xf32, #tpu.memory_space<hbm>>
      %dma_wait3A_146 = arith.constant 0 : i32
      %dma_wait3A_147 = tpu.memref_slice %arg6[%mul3A_6, %dma_wait3A_146] : memref<10112x128xf32, #tpu.memory_space<vmem_shared>> -> memref<632x128xf32, #tpu.memory_space<vmem_shared>>
      tpu.wait_dma2 semaphore(%run_scoped3A_137 : memref<!tpu.dma_semaphore, #tpu.memory_space<semaphore_mem>>) src(%dma_wait3A_147 : memref<632x128xf32, #tpu.memory_space<vmem_shared>>) dst(%dma_wait3A_145 : memref<632x128xf32, #tpu.memory_space<hbm>>)
      tpu.yield
    }) : () -> ()
    %barrier3A_90 = arith.constant 0 : index
    tpu.barrier barrier_id(%barrier3A_90)
    "tpu.region"() ({
      %run_scoped3A_137 = tpu.sem_alloc : memref<!tpu.dma_semaphore, #tpu.memory_space<semaphore_mem>>
      %dma_start3A_138 = arith.constant 0 : i32
      %dma_start3A_139 = tpu.memref_slice %arg6[%mul3A_6, %dma_start3A_138] : memref<10112x128xf32, #tpu.memory_space<vmem_shared>> -> memref<632x128xf32, #tpu.memory_space<vmem_shared>>
      tpu.enqueue_dma source(%arg4 : memref<632x128xf32, #tpu.memory_space<hbm>>) target(%dma_start3A_139 : memref<632x128xf32, #tpu.memory_space<vmem_shared>>) target_semaphore(%run_scoped3A_137 : memref<!tpu.dma_semaphore, #tpu.memory_space<semaphore_mem>>)
      %dma_wait3A_140 = arith.constant 0 : i32
      %dma_wait3A_141 = tpu.memref_slice %arg6[%mul3A_6, %dma_wait3A_140] : memref<10112x128xf32, #tpu.memory_space<vmem_shared>> -> memref<632x128xf32, #tpu.memory_space<vmem_shared>>
      tpu.wait_dma2 semaphore(%run_scoped3A_137 : memref<!tpu.dma_semaphore, #tpu.memory_space<semaphore_mem>>) src(%arg4 : memref<632x128xf32, #tpu.memory_space<hbm>>) dst(%dma_wait3A_141 : memref<632x128xf32, #tpu.memory_space<vmem_shared>>)
      tpu.yield
    }) : () -> ()
    %barrier3A_91 = arith.constant 0 : index
    tpu.barrier barrier_id(%barrier3A_91)
    %add3A_92 = arith.constant 0 : i32
    %add3A_93 = arith.addi %add3A_4, %add3A_92 : i32
    %mul3A_94 = arith.constant 128 : i32
    %mul3A_95 = arith.muli %add3A_93, %mul3A_94 : i32
    %run_scoped3A_96 = arith.constant 2 : i32
    %run_scoped3A_97 = arith.constant 0 : i32
    "tpu.region"() ({
      %run_scoped3A_137 = tpu.sem_alloc : memref<!tpu.dma_semaphore, #tpu.memory_space<semaphore_mem>>
      %dma_start3A_138 = tpu.memref_slice %arg3[%run_scoped3A_96, %run_scoped3A_97, %mul3A_95] : memref<3x2x160000xi32, #tpu.memory_space<hbm>> -> memref<1x1x128xi32, #tpu.memory_space<hbm>>
      %dma_start3A_139 = tpu.memref_squeeze %dma_start3A_138 : memref<1x1x128xi32, #tpu.memory_space<hbm>> -> memref<128xi32, #tpu.memory_space<hbm>>
      %dma_start3A_140 = tpu.memref_slice %arg3[%run_scoped3A_96, %run_scoped3A_97, %mul3A_95] : memref<3x2x160000xi32, #tpu.memory_space<hbm>> -> memref<1x1x128xi32, #tpu.memory_space<hbm>>
      %dma_start3A_141 = tpu.memref_squeeze %dma_start3A_140 : memref<1x1x128xi32, #tpu.memory_space<hbm>> -> memref<128xi32, #tpu.memory_space<hbm>>
      tpu.enqueue_dma source(%dma_start3A_141 : memref<128xi32, #tpu.memory_space<hbm>>) target(%arg10 : memref<128xi32, #tpu.memory_space<vmem>>) target_semaphore(%run_scoped3A_137 : memref<!tpu.dma_semaphore, #tpu.memory_space<semaphore_mem>>)
      %dma_wait3A_142 = tpu.memref_slice %arg3[%run_scoped3A_96, %run_scoped3A_97, %mul3A_95] : memref<3x2x160000xi32, #tpu.memory_space<hbm>> -> memref<1x1x128xi32, #tpu.memory_space<hbm>>
      %dma_wait3A_143 = tpu.memref_squeeze %dma_wait3A_142 : memref<1x1x128xi32, #tpu.memory_space<hbm>> -> memref<128xi32, #tpu.memory_space<hbm>>
      %dma_wait3A_144 = tpu.memref_slice %arg3[%run_scoped3A_96, %run_scoped3A_97, %mul3A_95] : memref<3x2x160000xi32, #tpu.memory_space<hbm>> -> memref<1x1x128xi32, #tpu.memory_space<hbm>>
      %dma_wait3A_145 = tpu.memref_squeeze %dma_wait3A_144 : memref<1x1x128xi32, #tpu.memory_space<hbm>> -> memref<128xi32, #tpu.memory_space<hbm>>
      tpu.wait_dma2 semaphore(%run_scoped3A_137 : memref<!tpu.dma_semaphore, #tpu.memory_space<semaphore_mem>>) src(%dma_wait3A_145 : memref<128xi32, #tpu.memory_space<hbm>>) dst(%arg10 : memref<128xi32, #tpu.memory_space<vmem>>)
      tpu.yield
    }) : () -> ()
    %run_scoped3A_98 = arith.constant 2 : i32
    %run_scoped3A_99 = arith.constant 1 : i32
    "tpu.region"() ({
      %run_scoped3A_137 = tpu.sem_alloc : memref<!tpu.dma_semaphore, #tpu.memory_space<semaphore_mem>>
      %dma_start3A_138 = tpu.memref_slice %arg3[%run_scoped3A_98, %run_scoped3A_99, %mul3A_95] : memref<3x2x160000xi32, #tpu.memory_space<hbm>> -> memref<1x1x128xi32, #tpu.memory_space<hbm>>
      %dma_start3A_139 = tpu.memref_squeeze %dma_start3A_138 : memref<1x1x128xi32, #tpu.memory_space<hbm>> -> memref<128xi32, #tpu.memory_space<hbm>>
      %dma_start3A_140 = tpu.memref_slice %arg3[%run_scoped3A_98, %run_scoped3A_99, %mul3A_95] : memref<3x2x160000xi32, #tpu.memory_space<hbm>> -> memref<1x1x128xi32, #tpu.memory_space<hbm>>
      %dma_start3A_141 = tpu.memref_squeeze %dma_start3A_140 : memref<1x1x128xi32, #tpu.memory_space<hbm>> -> memref<128xi32, #tpu.memory_space<hbm>>
      tpu.enqueue_dma source(%dma_start3A_141 : memref<128xi32, #tpu.memory_space<hbm>>) target(%arg13 : memref<128xi32, #tpu.memory_space<vmem>>) target_semaphore(%run_scoped3A_137 : memref<!tpu.dma_semaphore, #tpu.memory_space<semaphore_mem>>)
      %dma_wait3A_142 = tpu.memref_slice %arg3[%run_scoped3A_98, %run_scoped3A_99, %mul3A_95] : memref<3x2x160000xi32, #tpu.memory_space<hbm>> -> memref<1x1x128xi32, #tpu.memory_space<hbm>>
      %dma_wait3A_143 = tpu.memref_squeeze %dma_wait3A_142 : memref<1x1x128xi32, #tpu.memory_space<hbm>> -> memref<128xi32, #tpu.memory_space<hbm>>
      %dma_wait3A_144 = tpu.memref_slice %arg3[%run_scoped3A_98, %run_scoped3A_99, %mul3A_95] : memref<3x2x160000xi32, #tpu.memory_space<hbm>> -> memref<1x1x128xi32, #tpu.memory_space<hbm>>
      %dma_wait3A_145 = tpu.memref_squeeze %dma_wait3A_144 : memref<1x1x128xi32, #tpu.memory_space<hbm>> -> memref<128xi32, #tpu.memory_space<hbm>>
      tpu.wait_dma2 semaphore(%run_scoped3A_137 : memref<!tpu.dma_semaphore, #tpu.memory_space<semaphore_mem>>) src(%dma_wait3A_145 : memref<128xi32, #tpu.memory_space<hbm>>) dst(%arg13 : memref<128xi32, #tpu.memory_space<vmem>>)
      tpu.yield
    }) : () -> ()
    %dma_start3A_100 = arith.constant 0 : i32
    %dma_start3A_101 = arith.constant 0 : i32
    %dma_start3A_102 = tpu.memref_slice %arg2[%dma_start3A_100, %dma_start3A_101] : memref<10000x128xf32, #tpu.memory_space<hbm>> -> memref<10000x128xf32, #tpu.memory_space<hbm>>
    tpu.enqueue_indirect_dma source(%dma_start3A_102 : memref<10000x128xf32, #tpu.memory_space<hbm>>) target(%arg7 : memref<128x128xf32, #tpu.memory_space<vmem>>) offsets(%arg10 : memref<128xi32, #tpu.memory_space<vmem>>) semaphore(%arg16 : memref<!tpu.dma_semaphore, #tpu.memory_space<semaphore_mem>>)
    %add3A_103 = arith.constant 1 : i32
    %add3A_104 = arith.addi %add3A_4, %add3A_103 : i32
    %mul3A_105 = arith.constant 128 : i32
    %mul3A_106 = arith.muli %add3A_104, %mul3A_105 : i32
    %run_scoped3A_107 = arith.constant 2 : i32
    %run_scoped3A_108 = arith.constant 0 : i32
    "tpu.region"() ({
      %run_scoped3A_137 = tpu.sem_alloc : memref<!tpu.dma_semaphore, #tpu.memory_space<semaphore_mem>>
      %dma_start3A_138 = tpu.memref_slice %arg3[%run_scoped3A_107, %run_scoped3A_108, %mul3A_106] : memref<3x2x160000xi32, #tpu.memory_space<hbm>> -> memref<1x1x128xi32, #tpu.memory_space<hbm>>
      %dma_start3A_139 = tpu.memref_squeeze %dma_start3A_138 : memref<1x1x128xi32, #tpu.memory_space<hbm>> -> memref<128xi32, #tpu.memory_space<hbm>>
      %dma_start3A_140 = tpu.memref_slice %arg3[%run_scoped3A_107, %run_scoped3A_108, %mul3A_106] : memref<3x2x160000xi32, #tpu.memory_space<hbm>> -> memref<1x1x128xi32, #tpu.memory_space<hbm>>
      %dma_start3A_141 = tpu.memref_squeeze %dma_start3A_140 : memref<1x1x128xi32, #tpu.memory_space<hbm>> -> memref<128xi32, #tpu.memory_space<hbm>>
      tpu.enqueue_dma source(%dma_start3A_141 : memref<128xi32, #tpu.memory_space<hbm>>) target(%arg11 : memref<128xi32, #tpu.memory_space<vmem>>) target_semaphore(%run_scoped3A_137 : memref<!tpu.dma_semaphore, #tpu.memory_space<semaphore_mem>>)
      %dma_wait3A_142 = tpu.memref_slice %arg3[%run_scoped3A_107, %run_scoped3A_108, %mul3A_106] : memref<3x2x160000xi32, #tpu.memory_space<hbm>> -> memref<1x1x128xi32, #tpu.memory_space<hbm>>
      %dma_wait3A_143 = tpu.memref_squeeze %dma_wait3A_142 : memref<1x1x128xi32, #tpu.memory_space<hbm>> -> memref<128xi32, #tpu.memory_space<hbm>>
      %dma_wait3A_144 = tpu.memref_slice %arg3[%run_scoped3A_107, %run_scoped3A_108, %mul3A_106] : memref<3x2x160000xi32, #tpu.memory_space<hbm>> -> memref<1x1x128xi32, #tpu.memory_space<hbm>>
      %dma_wait3A_145 = tpu.memref_squeeze %dma_wait3A_144 : memref<1x1x128xi32, #tpu.memory_space<hbm>> -> memref<128xi32, #tpu.memory_space<hbm>>
      tpu.wait_dma2 semaphore(%run_scoped3A_137 : memref<!tpu.dma_semaphore, #tpu.memory_space<semaphore_mem>>) src(%dma_wait3A_145 : memref<128xi32, #tpu.memory_space<hbm>>) dst(%arg11 : memref<128xi32, #tpu.memory_space<vmem>>)
      tpu.yield
    }) : () -> ()
    %run_scoped3A_109 = arith.constant 2 : i32
    %run_scoped3A_110 = arith.constant 1 : i32
    "tpu.region"() ({
      %run_scoped3A_137 = tpu.sem_alloc : memref<!tpu.dma_semaphore, #tpu.memory_space<semaphore_mem>>
      %dma_start3A_138 = tpu.memref_slice %arg3[%run_scoped3A_109, %run_scoped3A_110, %mul3A_106] : memref<3x2x160000xi32, #tpu.memory_space<hbm>> -> memref<1x1x128xi32, #tpu.memory_space<hbm>>
      %dma_start3A_139 = tpu.memref_squeeze %dma_start3A_138 : memref<1x1x128xi32, #tpu.memory_space<hbm>> -> memref<128xi32, #tpu.memory_space<hbm>>
      %dma_start3A_140 = tpu.memref_slice %arg3[%run_scoped3A_109, %run_scoped3A_110, %mul3A_106] : memref<3x2x160000xi32, #tpu.memory_space<hbm>> -> memref<1x1x128xi32, #tpu.memory_space<hbm>>
      %dma_start3A_141 = tpu.memref_squeeze %dma_start3A_140 : memref<1x1x128xi32, #tpu.memory_space<hbm>> -> memref<128xi32, #tpu.memory_space<hbm>>
      tpu.enqueue_dma source(%dma_start3A_141 : memref<128xi32, #tpu.memory_space<hbm>>) target(%arg14 : memref<128xi32, #tpu.memory_space<vmem>>) target_semaphore(%run_scoped3A_137 : memref<!tpu.dma_semaphore, #tpu.memory_space<semaphore_mem>>)
      %dma_wait3A_142 = tpu.memref_slice %arg3[%run_scoped3A_109, %run_scoped3A_110, %mul3A_106] : memref<3x2x160000xi32, #tpu.memory_space<hbm>> -> memref<1x1x128xi32, #tpu.memory_space<hbm>>
      %dma_wait3A_143 = tpu.memref_squeeze %dma_wait3A_142 : memref<1x1x128xi32, #tpu.memory_space<hbm>> -> memref<128xi32, #tpu.memory_space<hbm>>
      %dma_wait3A_144 = tpu.memref_slice %arg3[%run_scoped3A_109, %run_scoped3A_110, %mul3A_106] : memref<3x2x160000xi32, #tpu.memory_space<hbm>> -> memref<1x1x128xi32, #tpu.memory_space<hbm>>
      %dma_wait3A_145 = tpu.memref_squeeze %dma_wait3A_144 : memref<1x1x128xi32, #tpu.memory_space<hbm>> -> memref<128xi32, #tpu.memory_space<hbm>>
      tpu.wait_dma2 semaphore(%run_scoped3A_137 : memref<!tpu.dma_semaphore, #tpu.memory_space<semaphore_mem>>) src(%dma_wait3A_145 : memref<128xi32, #tpu.memory_space<hbm>>) dst(%arg14 : memref<128xi32, #tpu.memory_space<vmem>>)
      tpu.yield
    }) : () -> ()
    %dma_start3A_111 = arith.constant 0 : i32
    %dma_start3A_112 = arith.constant 0 : i32
    %dma_start3A_113 = tpu.memref_slice %arg2[%dma_start3A_111, %dma_start3A_112] : memref<10000x128xf32, #tpu.memory_space<hbm>> -> memref<10000x128xf32, #tpu.memory_space<hbm>>
    tpu.enqueue_indirect_dma source(%dma_start3A_113 : memref<10000x128xf32, #tpu.memory_space<hbm>>) target(%arg8 : memref<128x128xf32, #tpu.memory_space<vmem>>) offsets(%arg11 : memref<128xi32, #tpu.memory_space<vmem>>) semaphore(%arg17 : memref<!tpu.dma_semaphore, #tpu.memory_space<semaphore_mem>>)
    %scan3A_114 = arith.constant 0 : i32
    %scan3A_115 = arith.constant 13 : i32
    %scan3A_116 = arith.addi %scan3A_114, %scan3A_115 : i32
    %scan3A_117 = arith.constant 1 : i32
    scf.for %scan3A_137 = %scan3A_114 to %scan3A_116 step %scan3A_117  : i32 {
      %mul3A_138 = arith.constant 3 : i32
      %mul3A_139 = arith.muli %scan3A_137, %mul3A_138 : i32
      %add3A_140 = arith.constant 0 : i32
      %add3A_141 = arith.addi %add3A_140, %mul3A_139 : i32
      %add3A_142 = arith.constant 0 : i32
      %add3A_143 = arith.addi %add3A_141, %add3A_142 : i32
      %dma_wait3A_144 = arith.constant 0 : i32
      %dma_wait3A_145 = arith.constant 0 : i32
      %dma_wait3A_146 = tpu.memref_slice %arg2[%dma_wait3A_144, %dma_wait3A_145] : memref<10000x128xf32, #tpu.memory_space<hbm>> -> memref<10000x128xf32, #tpu.memory_space<hbm>>
      tpu.wait_indirect_dma semaphore(%arg16 : memref<!tpu.dma_semaphore, #tpu.memory_space<semaphore_mem>>) src(%dma_wait3A_146 : memref<10000x128xf32, #tpu.memory_space<hbm>>) dst(%arg7 : memref<128x128xf32, #tpu.memory_space<vmem>>)
      %dma_start3A_147 = arith.constant 0 : i32
      %dma_start3A_148 = arith.constant 0 : i32
      %dma_start3A_149 = tpu.memref_slice %arg6[%dma_start3A_147, %dma_start3A_148] : memref<10112x128xf32, #tpu.memory_space<vmem_shared>> -> memref<10112x128xf32, #tpu.memory_space<vmem_shared>>
      tpu.enqueue_indirect_dma source(%arg7 : memref<128x128xf32, #tpu.memory_space<vmem>>) target(%dma_start3A_149 : memref<10112x128xf32, #tpu.memory_space<vmem_shared>>) offsets(%arg13 : memref<128xi32, #tpu.memory_space<vmem>>) semaphore(%arg19 : memref<!tpu.dma_semaphore, #tpu.memory_space<semaphore_mem>>) {add = true}
      %add3A_150 = arith.constant 2 : i32
      %add3A_151 = arith.addi %add3A_143, %add3A_150 : i32
      %lt3A_152 = arith.constant 39 : i32
      %lt3A_153 = arith.cmpi slt, %add3A_151, %lt3A_152 : i32
      %convert_element_type3A_154 = arith.extui %lt3A_153 : i1 to i32
      %cond3A_155 = arith.constant 0 : i32
      %cond3A_156 = arith.cmpi ne, %convert_element_type3A_154, %cond3A_155 : i32
      scf.if %cond3A_156 {
        %ge3A = arith.constant 1 : i32
        %ge3A_187 = arith.cmpi sge, %add3A_143, %ge3A : i32
        %convert_element_type3A_188 = arith.extui %ge3A_187 : i1 to i32
        %cond3A_189 = arith.constant 0 : i32
        %cond3A_190 = arith.cmpi ne, %convert_element_type3A_188, %cond3A_189 : i32
        scf.if %cond3A_190 {
          %dma_wait3A_203 = arith.constant 0 : i32
          %dma_wait3A_204 = arith.constant 0 : i32
          %dma_wait3A_205 = tpu.memref_slice %arg6[%dma_wait3A_203, %dma_wait3A_204] : memref<10112x128xf32, #tpu.memory_space<vmem_shared>> -> memref<10112x128xf32, #tpu.memory_space<vmem_shared>>
          tpu.wait_indirect_dma semaphore(%arg21 : memref<!tpu.dma_semaphore, #tpu.memory_space<semaphore_mem>>) src(%arg9 : memref<128x128xf32, #tpu.memory_space<vmem>>) dst(%dma_wait3A_205 : memref<10112x128xf32, #tpu.memory_space<vmem_shared>>)
        } else {
        }
        %add3A_191 = arith.constant 2 : i32
        %add3A_192 = arith.addi %add3A_143, %add3A_191 : i32
        %add3A_193 = arith.addi %add3A_4, %add3A_192 : i32
        %mul3A_194 = arith.constant 128 : i32
        %mul3A_195 = arith.muli %add3A_193, %mul3A_194 : i32
        %run_scoped3A_196 = arith.constant 2 : i32
        %run_scoped3A_197 = arith.constant 0 : i32
        "tpu.region"() ({
          %run_scoped3A_203 = tpu.sem_alloc : memref<!tpu.dma_semaphore, #tpu.memory_space<semaphore_mem>>
          %dma_start3A_204 = tpu.memref_slice %arg3[%run_scoped3A_196, %run_scoped3A_197, %mul3A_195] : memref<3x2x160000xi32, #tpu.memory_space<hbm>> -> memref<1x1x128xi32, #tpu.memory_space<hbm>>
          %dma_start3A_205 = tpu.memref_squeeze %dma_start3A_204 : memref<1x1x128xi32, #tpu.memory_space<hbm>> -> memref<128xi32, #tpu.memory_space<hbm>>
          %dma_start3A_206 = tpu.memref_slice %arg3[%run_scoped3A_196, %run_scoped3A_197, %mul3A_195] : memref<3x2x160000xi32, #tpu.memory_space<hbm>> -> memref<1x1x128xi32, #tpu.memory_space<hbm>>
          %dma_start3A_207 = tpu.memref_squeeze %dma_start3A_206 : memref<1x1x128xi32, #tpu.memory_space<hbm>> -> memref<128xi32, #tpu.memory_space<hbm>>
          tpu.enqueue_dma source(%dma_start3A_207 : memref<128xi32, #tpu.memory_space<hbm>>) target(%arg12 : memref<128xi32, #tpu.memory_space<vmem>>) target_semaphore(%run_scoped3A_203 : memref<!tpu.dma_semaphore, #tpu.memory_space<semaphore_mem>>)
          %dma_wait3A_208 = tpu.memref_slice %arg3[%run_scoped3A_196, %run_scoped3A_197, %mul3A_195] : memref<3x2x160000xi32, #tpu.memory_space<hbm>> -> memref<1x1x128xi32, #tpu.memory_space<hbm>>
          %dma_wait3A_209 = tpu.memref_squeeze %dma_wait3A_208 : memref<1x1x128xi32, #tpu.memory_space<hbm>> -> memref<128xi32, #tpu.memory_space<hbm>>
          %dma_wait3A_210 = tpu.memref_slice %arg3[%run_scoped3A_196, %run_scoped3A_197, %mul3A_195] : memref<3x2x160000xi32, #tpu.memory_space<hbm>> -> memref<1x1x128xi32, #tpu.memory_space<hbm>>
          %dma_wait3A_211 = tpu.memref_squeeze %dma_wait3A_210 : memref<1x1x128xi32, #tpu.memory_space<hbm>> -> memref<128xi32, #tpu.memory_space<hbm>>
          tpu.wait_dma2 semaphore(%run_scoped3A_203 : memref<!tpu.dma_semaphore, #tpu.memory_space<semaphore_mem>>) src(%dma_wait3A_211 : memref<128xi32, #tpu.memory_space<hbm>>) dst(%arg12 : memref<128xi32, #tpu.memory_space<vmem>>)
          tpu.yield
        }) : () -> ()
        %run_scoped3A_198 = arith.constant 2 : i32
        %run_scoped3A_199 = arith.constant 1 : i32
        "tpu.region"() ({
          %run_scoped3A_203 = tpu.sem_alloc : memref<!tpu.dma_semaphore, #tpu.memory_space<semaphore_mem>>
          %dma_start3A_204 = tpu.memref_slice %arg3[%run_scoped3A_198, %run_scoped3A_199, %mul3A_195] : memref<3x2x160000xi32, #tpu.memory_space<hbm>> -> memref<1x1x128xi32, #tpu.memory_space<hbm>>
          %dma_start3A_205 = tpu.memref_squeeze %dma_start3A_204 : memref<1x1x128xi32, #tpu.memory_space<hbm>> -> memref<128xi32, #tpu.memory_space<hbm>>
          %dma_start3A_206 = tpu.memref_slice %arg3[%run_scoped3A_198, %run_scoped3A_199, %mul3A_195] : memref<3x2x160000xi32, #tpu.memory_space<hbm>> -> memref<1x1x128xi32, #tpu.memory_space<hbm>>
          %dma_start3A_207 = tpu.memref_squeeze %dma_start3A_206 : memref<1x1x128xi32, #tpu.memory_space<hbm>> -> memref<128xi32, #tpu.memory_space<hbm>>
          tpu.enqueue_dma source(%dma_start3A_207 : memref<128xi32, #tpu.memory_space<hbm>>) target(%arg15 : memref<128xi32, #tpu.memory_space<vmem>>) target_semaphore(%run_scoped3A_203 : memref<!tpu.dma_semaphore, #tpu.memory_space<semaphore_mem>>)
          %dma_wait3A_208 = tpu.memref_slice %arg3[%run_scoped3A_198, %run_scoped3A_199, %mul3A_195] : memref<3x2x160000xi32, #tpu.memory_space<hbm>> -> memref<1x1x128xi32, #tpu.memory_space<hbm>>
          %dma_wait3A_209 = tpu.memref_squeeze %dma_wait3A_208 : memref<1x1x128xi32, #tpu.memory_space<hbm>> -> memref<128xi32, #tpu.memory_space<hbm>>
          %dma_wait3A_210 = tpu.memref_slice %arg3[%run_scoped3A_198, %run_scoped3A_199, %mul3A_195] : memref<3x2x160000xi32, #tpu.memory_space<hbm>> -> memref<1x1x128xi32, #tpu.memory_space<hbm>>
          %dma_wait3A_211 = tpu.memref_squeeze %dma_wait3A_210 : memref<1x1x128xi32, #tpu.memory_space<hbm>> -> memref<128xi32, #tpu.memory_space<hbm>>
          tpu.wait_dma2 semaphore(%run_scoped3A_203 : memref<!tpu.dma_semaphore, #tpu.memory_space<semaphore_mem>>) src(%dma_wait3A_211 : memref<128xi32, #tpu.memory_space<hbm>>) dst(%arg15 : memref<128xi32, #tpu.memory_space<vmem>>)
          tpu.yield
        }) : () -> ()
        %dma_start3A_200 = arith.constant 0 : i32
        %dma_start3A_201 = arith.constant 0 : i32
        %dma_start3A_202 = tpu.memref_slice %arg2[%dma_start3A_200, %dma_start3A_201] : memref<10000x128xf32, #tpu.memory_space<hbm>> -> memref<10000x128xf32, #tpu.memory_space<hbm>>
        tpu.enqueue_indirect_dma source(%dma_start3A_202 : memref<10000x128xf32, #tpu.memory_space<hbm>>) target(%arg9 : memref<128x128xf32, #tpu.memory_space<vmem>>) offsets(%arg12 : memref<128xi32, #tpu.memory_space<vmem>>) semaphore(%arg18 : memref<!tpu.dma_semaphore, #tpu.memory_space<semaphore_mem>>)
      } else {
      }
      %add3A_157 = arith.constant 1 : i32
      %add3A_158 = arith.addi %add3A_141, %add3A_157 : i32
      %dma_wait3A_159 = arith.constant 0 : i32
      %dma_wait3A_160 = arith.constant 0 : i32
      %dma_wait3A_161 = tpu.memref_slice %arg2[%dma_wait3A_159, %dma_wait3A_160] : memref<10000x128xf32, #tpu.memory_space<hbm>> -> memref<10000x128xf32, #tpu.memory_space<hbm>>
      tpu.wait_indirect_dma semaphore(%arg17 : memref<!tpu.dma_semaphore, #tpu.memory_space<semaphore_mem>>) src(%dma_wait3A_161 : memref<10000x128xf32, #tpu.memory_space<hbm>>) dst(%arg8 : memref<128x128xf32, #tpu.memory_space<vmem>>)
      %dma_start3A_162 = arith.constant 0 : i32
      %dma_start3A_163 = arith.constant 0 : i32
      %dma_start3A_164 = tpu.memref_slice %arg6[%dma_start3A_162, %dma_start3A_163] : memref<10112x128xf32, #tpu.memory_space<vmem_shared>> -> memref<10112x128xf32, #tpu.memory_space<vmem_shared>>
      tpu.enqueue_indirect_dma source(%arg8 : memref<128x128xf32, #tpu.memory_space<vmem>>) target(%dma_start3A_164 : memref<10112x128xf32, #tpu.memory_space<vmem_shared>>) offsets(%arg14 : memref<128xi32, #tpu.memory_space<vmem>>) semaphore(%arg20 : memref<!tpu.dma_semaphore, #tpu.memory_space<semaphore_mem>>) {add = true}
      %add3A_165 = arith.constant 2 : i32
      %add3A_166 = arith.addi %add3A_158, %add3A_165 : i32
      %lt3A_167 = arith.constant 39 : i32
      %lt3A_168 = arith.cmpi slt, %add3A_166, %lt3A_167 : i32
      %convert_element_type3A_169 = arith.extui %lt3A_168 : i1 to i32
      %cond3A_170 = arith.constant 0 : i32
      %cond3A_171 = arith.cmpi ne, %convert_element_type3A_169, %cond3A_170 : i32
      scf.if %cond3A_171 {
        %ge3A = arith.constant 1 : i32
        %ge3A_187 = arith.cmpi sge, %add3A_158, %ge3A : i32
        %convert_element_type3A_188 = arith.extui %ge3A_187 : i1 to i32
        %cond3A_189 = arith.constant 0 : i32
        %cond3A_190 = arith.cmpi ne, %convert_element_type3A_188, %cond3A_189 : i32
        scf.if %cond3A_190 {
          %dma_wait3A_203 = arith.constant 0 : i32
          %dma_wait3A_204 = arith.constant 0 : i32
          %dma_wait3A_205 = tpu.memref_slice %arg6[%dma_wait3A_203, %dma_wait3A_204] : memref<10112x128xf32, #tpu.memory_space<vmem_shared>> -> memref<10112x128xf32, #tpu.memory_space<vmem_shared>>
          tpu.wait_indirect_dma semaphore(%arg19 : memref<!tpu.dma_semaphore, #tpu.memory_space<semaphore_mem>>) src(%arg7 : memref<128x128xf32, #tpu.memory_space<vmem>>) dst(%dma_wait3A_205 : memref<10112x128xf32, #tpu.memory_space<vmem_shared>>)
        } else {
        }
        %add3A_191 = arith.constant 2 : i32
        %add3A_192 = arith.addi %add3A_158, %add3A_191 : i32
        %add3A_193 = arith.addi %add3A_4, %add3A_192 : i32
        %mul3A_194 = arith.constant 128 : i32
        %mul3A_195 = arith.muli %add3A_193, %mul3A_194 : i32
        %run_scoped3A_196 = arith.constant 2 : i32
        %run_scoped3A_197 = arith.constant 0 : i32
        "tpu.region"() ({
          %run_scoped3A_203 = tpu.sem_alloc : memref<!tpu.dma_semaphore, #tpu.memory_space<semaphore_mem>>
          %dma_start3A_204 = tpu.memref_slice %arg3[%run_scoped3A_196, %run_scoped3A_197, %mul3A_195] : memref<3x2x160000xi32, #tpu.memory_space<hbm>> -> memref<1x1x128xi32, #tpu.memory_space<hbm>>
          %dma_start3A_205 = tpu.memref_squeeze %dma_start3A_204 : memref<1x1x128xi32, #tpu.memory_space<hbm>> -> memref<128xi32, #tpu.memory_space<hbm>>
          %dma_start3A_206 = tpu.memref_slice %arg3[%run_scoped3A_196, %run_scoped3A_197, %mul3A_195] : memref<3x2x160000xi32, #tpu.memory_space<hbm>> -> memref<1x1x128xi32, #tpu.memory_space<hbm>>
          %dma_start3A_207 = tpu.memref_squeeze %dma_start3A_206 : memref<1x1x128xi32, #tpu.memory_space<hbm>> -> memref<128xi32, #tpu.memory_space<hbm>>
          tpu.enqueue_dma source(%dma_start3A_207 : memref<128xi32, #tpu.memory_space<hbm>>) target(%arg10 : memref<128xi32, #tpu.memory_space<vmem>>) target_semaphore(%run_scoped3A_203 : memref<!tpu.dma_semaphore, #tpu.memory_space<semaphore_mem>>)
          %dma_wait3A_208 = tpu.memref_slice %arg3[%run_scoped3A_196, %run_scoped3A_197, %mul3A_195] : memref<3x2x160000xi32, #tpu.memory_space<hbm>> -> memref<1x1x128xi32, #tpu.memory_space<hbm>>
          %dma_wait3A_209 = tpu.memref_squeeze %dma_wait3A_208 : memref<1x1x128xi32, #tpu.memory_space<hbm>> -> memref<128xi32, #tpu.memory_space<hbm>>
          %dma_wait3A_210 = tpu.memref_slice %arg3[%run_scoped3A_196, %run_scoped3A_197, %mul3A_195] : memref<3x2x160000xi32, #tpu.memory_space<hbm>> -> memref<1x1x128xi32, #tpu.memory_space<hbm>>
          %dma_wait3A_211 = tpu.memref_squeeze %dma_wait3A_210 : memref<1x1x128xi32, #tpu.memory_space<hbm>> -> memref<128xi32, #tpu.memory_space<hbm>>
          tpu.wait_dma2 semaphore(%run_scoped3A_203 : memref<!tpu.dma_semaphore, #tpu.memory_space<semaphore_mem>>) src(%dma_wait3A_211 : memref<128xi32, #tpu.memory_space<hbm>>) dst(%arg10 : memref<128xi32, #tpu.memory_space<vmem>>)
          tpu.yield
        }) : () -> ()
        %run_scoped3A_198 = arith.constant 2 : i32
        %run_scoped3A_199 = arith.constant 1 : i32
        "tpu.region"() ({
          %run_scoped3A_203 = tpu.sem_alloc : memref<!tpu.dma_semaphore, #tpu.memory_space<semaphore_mem>>
          %dma_start3A_204 = tpu.memref_slice %arg3[%run_scoped3A_198, %run_scoped3A_199, %mul3A_195] : memref<3x2x160000xi32, #tpu.memory_space<hbm>> -> memref<1x1x128xi32, #tpu.memory_space<hbm>>
          %dma_start3A_205 = tpu.memref_squeeze %dma_start3A_204 : memref<1x1x128xi32, #tpu.memory_space<hbm>> -> memref<128xi32, #tpu.memory_space<hbm>>
          %dma_start3A_206 = tpu.memref_slice %arg3[%run_scoped3A_198, %run_scoped3A_199, %mul3A_195] : memref<3x2x160000xi32, #tpu.memory_space<hbm>> -> memref<1x1x128xi32, #tpu.memory_space<hbm>>
          %dma_start3A_207 = tpu.memref_squeeze %dma_start3A_206 : memref<1x1x128xi32, #tpu.memory_space<hbm>> -> memref<128xi32, #tpu.memory_space<hbm>>
          tpu.enqueue_dma source(%dma_start3A_207 : memref<128xi32, #tpu.memory_space<hbm>>) target(%arg13 : memref<128xi32, #tpu.memory_space<vmem>>) target_semaphore(%run_scoped3A_203 : memref<!tpu.dma_semaphore, #tpu.memory_space<semaphore_mem>>)
          %dma_wait3A_208 = tpu.memref_slice %arg3[%run_scoped3A_198, %run_scoped3A_199, %mul3A_195] : memref<3x2x160000xi32, #tpu.memory_space<hbm>> -> memref<1x1x128xi32, #tpu.memory_space<hbm>>
          %dma_wait3A_209 = tpu.memref_squeeze %dma_wait3A_208 : memref<1x1x128xi32, #tpu.memory_space<hbm>> -> memref<128xi32, #tpu.memory_space<hbm>>
          %dma_wait3A_210 = tpu.memref_slice %arg3[%run_scoped3A_198, %run_scoped3A_199, %mul3A_195] : memref<3x2x160000xi32, #tpu.memory_space<hbm>> -> memref<1x1x128xi32, #tpu.memory_space<hbm>>
          %dma_wait3A_211 = tpu.memref_squeeze %dma_wait3A_210 : memref<1x1x128xi32, #tpu.memory_space<hbm>> -> memref<128xi32, #tpu.memory_space<hbm>>
          tpu.wait_dma2 semaphore(%run_scoped3A_203 : memref<!tpu.dma_semaphore, #tpu.memory_space<semaphore_mem>>) src(%dma_wait3A_211 : memref<128xi32, #tpu.memory_space<hbm>>) dst(%arg13 : memref<128xi32, #tpu.memory_space<vmem>>)
          tpu.yield
        }) : () -> ()
        %dma_start3A_200 = arith.constant 0 : i32
        %dma_start3A_201 = arith.constant 0 : i32
        %dma_start3A_202 = tpu.memref_slice %arg2[%dma_start3A_200, %dma_start3A_201] : memref<10000x128xf32, #tpu.memory_space<hbm>> -> memref<10000x128xf32, #tpu.memory_space<hbm>>
        tpu.enqueue_indirect_dma source(%dma_start3A_202 : memref<10000x128xf32, #tpu.memory_space<hbm>>) target(%arg7 : memref<128x128xf32, #tpu.memory_space<vmem>>) offsets(%arg10 : memref<128xi32, #tpu.memory_space<vmem>>) semaphore(%arg16 : memref<!tpu.dma_semaphore, #tpu.memory_space<semaphore_mem>>)
      } else {
      }
      %add3A_172 = arith.constant 2 : i32
      %add3A_173 = arith.addi %add3A_141, %add3A_172 : i32
      %dma_wait3A_174 = arith.constant 0 : i32
      %dma_wait3A_175 = arith.constant 0 : i32
      %dma_wait3A_176 = tpu.memref_slice %arg2[%dma_wait3A_174, %dma_wait3A_175] : memref<10000x128xf32, #tpu.memory_space<hbm>> -> memref<10000x128xf32, #tpu.memory_space<hbm>>
      tpu.wait_indirect_dma semaphore(%arg18 : memref<!tpu.dma_semaphore, #tpu.memory_space<semaphore_mem>>) src(%dma_wait3A_176 : memref<10000x128xf32, #tpu.memory_space<hbm>>) dst(%arg9 : memref<128x128xf32, #tpu.memory_space<vmem>>)
      %dma_start3A_177 = arith.constant 0 : i32
      %dma_start3A_178 = arith.constant 0 : i32
      %dma_start3A_179 = tpu.memref_slice %arg6[%dma_start3A_177, %dma_start3A_178] : memref<10112x128xf32, #tpu.memory_space<vmem_shared>> -> memref<10112x128xf32, #tpu.memory_space<vmem_shared>>
      tpu.enqueue_indirect_dma source(%arg9 : memref<128x128xf32, #tpu.memory_space<vmem>>) target(%dma_start3A_179 : memref<10112x128xf32, #tpu.memory_space<vmem_shared>>) offsets(%arg15 : memref<128xi32, #tpu.memory_space<vmem>>) semaphore(%arg21 : memref<!tpu.dma_semaphore, #tpu.memory_space<semaphore_mem>>) {add = true}
      %add3A_180 = arith.constant 2 : i32
      %add3A_181 = arith.addi %add3A_173, %add3A_180 : i32
      %lt3A_182 = arith.constant 39 : i32
      %lt3A_183 = arith.cmpi slt, %add3A_181, %lt3A_182 : i32
      %convert_element_type3A_184 = arith.extui %lt3A_183 : i1 to i32
      %cond3A_185 = arith.constant 0 : i32
      %cond3A_186 = arith.cmpi ne, %convert_element_type3A_184, %cond3A_185 : i32
      scf.if %cond3A_186 {
        %ge3A = arith.constant 1 : i32
        %ge3A_187 = arith.cmpi sge, %add3A_173, %ge3A : i32
        %convert_element_type3A_188 = arith.extui %ge3A_187 : i1 to i32
        %cond3A_189 = arith.constant 0 : i32
        %cond3A_190 = arith.cmpi ne, %convert_element_type3A_188, %cond3A_189 : i32
        scf.if %cond3A_190 {
          %dma_wait3A_203 = arith.constant 0 : i32
          %dma_wait3A_204 = arith.constant 0 : i32
          %dma_wait3A_205 = tpu.memref_slice %arg6[%dma_wait3A_203, %dma_wait3A_204] : memref<10112x128xf32, #tpu.memory_space<vmem_shared>> -> memref<10112x128xf32, #tpu.memory_space<vmem_shared>>
          tpu.wait_indirect_dma semaphore(%arg20 : memref<!tpu.dma_semaphore, #tpu.memory_space<semaphore_mem>>) src(%arg8 : memref<128x128xf32, #tpu.memory_space<vmem>>) dst(%dma_wait3A_205 : memref<10112x128xf32, #tpu.memory_space<vmem_shared>>)
        } else {
        }
        %add3A_191 = arith.constant 2 : i32
        %add3A_192 = arith.addi %add3A_173, %add3A_191 : i32
        %add3A_193 = arith.addi %add3A_4, %add3A_192 : i32
        %mul3A_194 = arith.constant 128 : i32
        %mul3A_195 = arith.muli %add3A_193, %mul3A_194 : i32
        %run_scoped3A_196 = arith.constant 2 : i32
        %run_scoped3A_197 = arith.constant 0 : i32
        "tpu.region"() ({
          %run_scoped3A_203 = tpu.sem_alloc : memref<!tpu.dma_semaphore, #tpu.memory_space<semaphore_mem>>
          %dma_start3A_204 = tpu.memref_slice %arg3[%run_scoped3A_196, %run_scoped3A_197, %mul3A_195] : memref<3x2x160000xi32, #tpu.memory_space<hbm>> -> memref<1x1x128xi32, #tpu.memory_space<hbm>>
          %dma_start3A_205 = tpu.memref_squeeze %dma_start3A_204 : memref<1x1x128xi32, #tpu.memory_space<hbm>> -> memref<128xi32, #tpu.memory_space<hbm>>
          %dma_start3A_206 = tpu.memref_slice %arg3[%run_scoped3A_196, %run_scoped3A_197, %mul3A_195] : memref<3x2x160000xi32, #tpu.memory_space<hbm>> -> memref<1x1x128xi32, #tpu.memory_space<hbm>>
          %dma_start3A_207 = tpu.memref_squeeze %dma_start3A_206 : memref<1x1x128xi32, #tpu.memory_space<hbm>> -> memref<128xi32, #tpu.memory_space<hbm>>
          tpu.enqueue_dma source(%dma_start3A_207 : memref<128xi32, #tpu.memory_space<hbm>>) target(%arg11 : memref<128xi32, #tpu.memory_space<vmem>>) target_semaphore(%run_scoped3A_203 : memref<!tpu.dma_semaphore, #tpu.memory_space<semaphore_mem>>)
          %dma_wait3A_208 = tpu.memref_slice %arg3[%run_scoped3A_196, %run_scoped3A_197, %mul3A_195] : memref<3x2x160000xi32, #tpu.memory_space<hbm>> -> memref<1x1x128xi32, #tpu.memory_space<hbm>>
          %dma_wait3A_209 = tpu.memref_squeeze %dma_wait3A_208 : memref<1x1x128xi32, #tpu.memory_space<hbm>> -> memref<128xi32, #tpu.memory_space<hbm>>
          %dma_wait3A_210 = tpu.memref_slice %arg3[%run_scoped3A_196, %run_scoped3A_197, %mul3A_195] : memref<3x2x160000xi32, #tpu.memory_space<hbm>> -> memref<1x1x128xi32, #tpu.memory_space<hbm>>
          %dma_wait3A_211 = tpu.memref_squeeze %dma_wait3A_210 : memref<1x1x128xi32, #tpu.memory_space<hbm>> -> memref<128xi32, #tpu.memory_space<hbm>>
          tpu.wait_dma2 semaphore(%run_scoped3A_203 : memref<!tpu.dma_semaphore, #tpu.memory_space<semaphore_mem>>) src(%dma_wait3A_211 : memref<128xi32, #tpu.memory_space<hbm>>) dst(%arg11 : memref<128xi32, #tpu.memory_space<vmem>>)
          tpu.yield
        }) : () -> ()
        %run_scoped3A_198 = arith.constant 2 : i32
        %run_scoped3A_199 = arith.constant 1 : i32
        "tpu.region"() ({
          %run_scoped3A_203 = tpu.sem_alloc : memref<!tpu.dma_semaphore, #tpu.memory_space<semaphore_mem>>
          %dma_start3A_204 = tpu.memref_slice %arg3[%run_scoped3A_198, %run_scoped3A_199, %mul3A_195] : memref<3x2x160000xi32, #tpu.memory_space<hbm>> -> memref<1x1x128xi32, #tpu.memory_space<hbm>>
          %dma_start3A_205 = tpu.memref_squeeze %dma_start3A_204 : memref<1x1x128xi32, #tpu.memory_space<hbm>> -> memref<128xi32, #tpu.memory_space<hbm>>
          %dma_start3A_206 = tpu.memref_slice %arg3[%run_scoped3A_198, %run_scoped3A_199, %mul3A_195] : memref<3x2x160000xi32, #tpu.memory_space<hbm>> -> memref<1x1x128xi32, #tpu.memory_space<hbm>>
          %dma_start3A_207 = tpu.memref_squeeze %dma_start3A_206 : memref<1x1x128xi32, #tpu.memory_space<hbm>> -> memref<128xi32, #tpu.memory_space<hbm>>
          tpu.enqueue_dma source(%dma_start3A_207 : memref<128xi32, #tpu.memory_space<hbm>>) target(%arg14 : memref<128xi32, #tpu.memory_space<vmem>>) target_semaphore(%run_scoped3A_203 : memref<!tpu.dma_semaphore, #tpu.memory_space<semaphore_mem>>)
          %dma_wait3A_208 = tpu.memref_slice %arg3[%run_scoped3A_198, %run_scoped3A_199, %mul3A_195] : memref<3x2x160000xi32, #tpu.memory_space<hbm>> -> memref<1x1x128xi32, #tpu.memory_space<hbm>>
          %dma_wait3A_209 = tpu.memref_squeeze %dma_wait3A_208 : memref<1x1x128xi32, #tpu.memory_space<hbm>> -> memref<128xi32, #tpu.memory_space<hbm>>
          %dma_wait3A_210 = tpu.memref_slice %arg3[%run_scoped3A_198, %run_scoped3A_199, %mul3A_195] : memref<3x2x160000xi32, #tpu.memory_space<hbm>> -> memref<1x1x128xi32, #tpu.memory_space<hbm>>
          %dma_wait3A_211 = tpu.memref_squeeze %dma_wait3A_210 : memref<1x1x128xi32, #tpu.memory_space<hbm>> -> memref<128xi32, #tpu.memory_space<hbm>>
          tpu.wait_dma2 semaphore(%run_scoped3A_203 : memref<!tpu.dma_semaphore, #tpu.memory_space<semaphore_mem>>) src(%dma_wait3A_211 : memref<128xi32, #tpu.memory_space<hbm>>) dst(%arg14 : memref<128xi32, #tpu.memory_space<vmem>>)
          tpu.yield
        }) : () -> ()
        %dma_start3A_200 = arith.constant 0 : i32
        %dma_start3A_201 = arith.constant 0 : i32
        %dma_start3A_202 = tpu.memref_slice %arg2[%dma_start3A_200, %dma_start3A_201] : memref<10000x128xf32, #tpu.memory_space<hbm>> -> memref<10000x128xf32, #tpu.memory_space<hbm>>
        tpu.enqueue_indirect_dma source(%dma_start3A_202 : memref<10000x128xf32, #tpu.memory_space<hbm>>) target(%arg8 : memref<128x128xf32, #tpu.memory_space<vmem>>) offsets(%arg11 : memref<128xi32, #tpu.memory_space<vmem>>) semaphore(%arg17 : memref<!tpu.dma_semaphore, #tpu.memory_space<semaphore_mem>>)
      } else {
      }
    }
    %scan3A_118 = arith.constant 13 : i32
    %dma_wait3A_119 = arith.constant 0 : i32
    %dma_wait3A_120 = arith.constant 0 : i32
    %dma_wait3A_121 = tpu.memref_slice %arg6[%dma_wait3A_119, %dma_wait3A_120] : memref<10112x128xf32, #tpu.memory_space<vmem_shared>> -> memref<10112x128xf32, #tpu.memory_space<vmem_shared>>
    tpu.wait_indirect_dma semaphore(%arg19 : memref<!tpu.dma_semaphore, #tpu.memory_space<semaphore_mem>>) src(%arg7 : memref<128x128xf32, #tpu.memory_space<vmem>>) dst(%dma_wait3A_121 : memref<10112x128xf32, #tpu.memory_space<vmem_shared>>)
    %dma_wait3A_122 = arith.constant 0 : i32
    %dma_wait3A_123 = arith.constant 0 : i32
    %dma_wait3A_124 = tpu.memref_slice %arg6[%dma_wait3A_122, %dma_wait3A_123] : memref<10112x128xf32, #tpu.memory_space<vmem_shared>> -> memref<10112x128xf32, #tpu.memory_space<vmem_shared>>
    tpu.wait_indirect_dma semaphore(%arg20 : memref<!tpu.dma_semaphore, #tpu.memory_space<semaphore_mem>>) src(%arg8 : memref<128x128xf32, #tpu.memory_space<vmem>>) dst(%dma_wait3A_124 : memref<10112x128xf32, #tpu.memory_space<vmem_shared>>)
    %dma_wait3A_125 = arith.constant 0 : i32
    %dma_wait3A_126 = arith.constant 0 : i32
    %dma_wait3A_127 = tpu.memref_slice %arg6[%dma_wait3A_125, %dma_wait3A_126] : memref<10112x128xf32, #tpu.memory_space<vmem_shared>> -> memref<10112x128xf32, #tpu.memory_space<vmem_shared>>
    tpu.wait_indirect_dma semaphore(%arg21 : memref<!tpu.dma_semaphore, #tpu.memory_space<semaphore_mem>>) src(%arg9 : memref<128x128xf32, #tpu.memory_space<vmem>>) dst(%dma_wait3A_127 : memref<10112x128xf32, #tpu.memory_space<vmem_shared>>)
    %lt3A_128 = arith.constant 2 : i32
    %lt3A_129 = arith.cmpi slt, %add3A, %lt3A_128 : i32
    %convert_element_type3A_130 = arith.extui %lt3A_129 : i1 to i32
    %cond3A_131 = arith.constant 0 : i32
    %cond3A_132 = arith.cmpi ne, %convert_element_type3A_130, %cond3A_131 : i32
    scf.if %cond3A_132 {
      %add3A_137 = arith.constant 39 : i32
      %add3A_138 = arith.addi %add3A_4, %add3A_137 : i32
      %mul3A_139 = arith.constant 128 : i32
      %mul3A_140 = arith.muli %add3A_138, %mul3A_139 : i32
      %run_scoped3A_141 = arith.constant 2 : i32
      %run_scoped3A_142 = arith.constant 0 : i32
      "tpu.region"() ({
        %run_scoped3A_145 = tpu.sem_alloc : memref<!tpu.dma_semaphore, #tpu.memory_space<semaphore_mem>>
        %dma_start3A_146 = tpu.memref_slice %arg3[%run_scoped3A_141, %run_scoped3A_142, %mul3A_140] : memref<3x2x160000xi32, #tpu.memory_space<hbm>> -> memref<1x1x128xi32, #tpu.memory_space<hbm>>
        %dma_start3A_147 = tpu.memref_squeeze %dma_start3A_146 : memref<1x1x128xi32, #tpu.memory_space<hbm>> -> memref<128xi32, #tpu.memory_space<hbm>>
        %dma_start3A_148 = tpu.memref_slice %arg3[%run_scoped3A_141, %run_scoped3A_142, %mul3A_140] : memref<3x2x160000xi32, #tpu.memory_space<hbm>> -> memref<1x1x128xi32, #tpu.memory_space<hbm>>
        %dma_start3A_149 = tpu.memref_squeeze %dma_start3A_148 : memref<1x1x128xi32, #tpu.memory_space<hbm>> -> memref<128xi32, #tpu.memory_space<hbm>>
        tpu.enqueue_dma source(%dma_start3A_149 : memref<128xi32, #tpu.memory_space<hbm>>) target(%arg10 : memref<128xi32, #tpu.memory_space<vmem>>) target_semaphore(%run_scoped3A_145 : memref<!tpu.dma_semaphore, #tpu.memory_space<semaphore_mem>>)
        %dma_wait3A_150 = tpu.memref_slice %arg3[%run_scoped3A_141, %run_scoped3A_142, %mul3A_140] : memref<3x2x160000xi32, #tpu.memory_space<hbm>> -> memref<1x1x128xi32, #tpu.memory_space<hbm>>
        %dma_wait3A_151 = tpu.memref_squeeze %dma_wait3A_150 : memref<1x1x128xi32, #tpu.memory_space<hbm>> -> memref<128xi32, #tpu.memory_space<hbm>>
        %dma_wait3A_152 = tpu.memref_slice %arg3[%run_scoped3A_141, %run_scoped3A_142, %mul3A_140] : memref<3x2x160000xi32, #tpu.memory_space<hbm>> -> memref<1x1x128xi32, #tpu.memory_space<hbm>>
        %dma_wait3A_153 = tpu.memref_squeeze %dma_wait3A_152 : memref<1x1x128xi32, #tpu.memory_space<hbm>> -> memref<128xi32, #tpu.memory_space<hbm>>
        tpu.wait_dma2 semaphore(%run_scoped3A_145 : memref<!tpu.dma_semaphore, #tpu.memory_space<semaphore_mem>>) src(%dma_wait3A_153 : memref<128xi32, #tpu.memory_space<hbm>>) dst(%arg10 : memref<128xi32, #tpu.memory_space<vmem>>)
        tpu.yield
      }) : () -> ()
      %run_scoped3A_143 = arith.constant 2 : i32
      %run_scoped3A_144 = arith.constant 1 : i32
      "tpu.region"() ({
        %run_scoped3A_145 = tpu.sem_alloc : memref<!tpu.dma_semaphore, #tpu.memory_space<semaphore_mem>>
        %dma_start3A_146 = tpu.memref_slice %arg3[%run_scoped3A_143, %run_scoped3A_144, %mul3A_140] : memref<3x2x160000xi32, #tpu.memory_space<hbm>> -> memref<1x1x128xi32, #tpu.memory_space<hbm>>
        %dma_start3A_147 = tpu.memref_squeeze %dma_start3A_146 : memref<1x1x128xi32, #tpu.memory_space<hbm>> -> memref<128xi32, #tpu.memory_space<hbm>>
        %dma_start3A_148 = tpu.memref_slice %arg3[%run_scoped3A_143, %run_scoped3A_144, %mul3A_140] : memref<3x2x160000xi32, #tpu.memory_space<hbm>> -> memref<1x1x128xi32, #tpu.memory_space<hbm>>
        %dma_start3A_149 = tpu.memref_squeeze %dma_start3A_148 : memref<1x1x128xi32, #tpu.memory_space<hbm>> -> memref<128xi32, #tpu.memory_space<hbm>>
        tpu.enqueue_dma source(%dma_start3A_149 : memref<128xi32, #tpu.memory_space<hbm>>) target(%arg13 : memref<128xi32, #tpu.memory_space<vmem>>) target_semaphore(%run_scoped3A_145 : memref<!tpu.dma_semaphore, #tpu.memory_space<semaphore_mem>>)
        %dma_wait3A_150 = tpu.memref_slice %arg3[%run_scoped3A_143, %run_scoped3A_144, %mul3A_140] : memref<3x2x160000xi32, #tpu.memory_space<hbm>> -> memref<1x1x128xi32, #tpu.memory_space<hbm>>
        %dma_wait3A_151 = tpu.memref_squeeze %dma_wait3A_150 : memref<1x1x128xi32, #tpu.memory_space<hbm>> -> memref<128xi32, #tpu.memory_space<hbm>>
        %dma_wait3A_152 = tpu.memref_slice %arg3[%run_scoped3A_143, %run_scoped3A_144, %mul3A_140] : memref<3x2x160000xi32, #tpu.memory_space<hbm>> -> memref<1x1x128xi32, #tpu.memory_space<hbm>>
        %dma_wait3A_153 = tpu.memref_squeeze %dma_wait3A_152 : memref<1x1x128xi32, #tpu.memory_space<hbm>> -> memref<128xi32, #tpu.memory_space<hbm>>
        tpu.wait_dma2 semaphore(%run_scoped3A_145 : memref<!tpu.dma_semaphore, #tpu.memory_space<semaphore_mem>>) src(%dma_wait3A_153 : memref<128xi32, #tpu.memory_space<hbm>>) dst(%arg13 : memref<128xi32, #tpu.memory_space<vmem>>)
        tpu.yield
      }) : () -> ()
      "tpu.region"() ({
        %run_scoped3A_145 = tpu.sem_alloc : memref<!tpu.dma_semaphore, #tpu.memory_space<semaphore_mem>>
        %dma_start3A_146 = arith.constant 0 : i32
        %dma_start3A_147 = arith.constant 0 : i32
        %dma_start3A_148 = tpu.memref_slice %arg2[%dma_start3A_146, %dma_start3A_147] : memref<10000x128xf32, #tpu.memory_space<hbm>> -> memref<10000x128xf32, #tpu.memory_space<hbm>>
        tpu.enqueue_indirect_dma source(%dma_start3A_148 : memref<10000x128xf32, #tpu.memory_space<hbm>>) target(%arg7 : memref<128x128xf32, #tpu.memory_space<vmem>>) offsets(%arg10 : memref<128xi32, #tpu.memory_space<vmem>>) semaphore(%run_scoped3A_145 : memref<!tpu.dma_semaphore, #tpu.memory_space<semaphore_mem>>)
        %dma_wait3A_149 = arith.constant 0 : i32
        %dma_wait3A_150 = arith.constant 0 : i32
        %dma_wait3A_151 = tpu.memref_slice %arg2[%dma_wait3A_149, %dma_wait3A_150] : memref<10000x128xf32, #tpu.memory_space<hbm>> -> memref<10000x128xf32, #tpu.memory_space<hbm>>
        tpu.wait_indirect_dma semaphore(%run_scoped3A_145 : memref<!tpu.dma_semaphore, #tpu.memory_space<semaphore_mem>>) src(%dma_wait3A_151 : memref<10000x128xf32, #tpu.memory_space<hbm>>) dst(%arg7 : memref<128x128xf32, #tpu.memory_space<vmem>>)
        tpu.yield
      }) : () -> ()
      "tpu.region"() ({
        %run_scoped3A_145 = tpu.sem_alloc : memref<!tpu.dma_semaphore, #tpu.memory_space<semaphore_mem>>
        %dma_start3A_146 = arith.constant 0 : i32
        %dma_start3A_147 = arith.constant 0 : i32
        %dma_start3A_148 = tpu.memref_slice %arg6[%dma_start3A_146, %dma_start3A_147] : memref<10112x128xf32, #tpu.memory_space<vmem_shared>> -> memref<10112x128xf32, #tpu.memory_space<vmem_shared>>
        tpu.enqueue_indirect_dma source(%arg7 : memref<128x128xf32, #tpu.memory_space<vmem>>) target(%dma_start3A_148 : memref<10112x128xf32, #tpu.memory_space<vmem_shared>>) offsets(%arg13 : memref<128xi32, #tpu.memory_space<vmem>>) semaphore(%run_scoped3A_145 : memref<!tpu.dma_semaphore, #tpu.memory_space<semaphore_mem>>) {add = true}
        %dma_wait3A_149 = arith.constant 0 : i32
        %dma_wait3A_150 = arith.constant 0 : i32
        %dma_wait3A_151 = tpu.memref_slice %arg6[%dma_wait3A_149, %dma_wait3A_150] : memref<10112x128xf32, #tpu.memory_space<vmem_shared>> -> memref<10112x128xf32, #tpu.memory_space<vmem_shared>>
        tpu.wait_indirect_dma semaphore(%run_scoped3A_145 : memref<!tpu.dma_semaphore, #tpu.memory_space<semaphore_mem>>) src(%arg7 : memref<128x128xf32, #tpu.memory_space<vmem>>) dst(%dma_wait3A_151 : memref<10112x128xf32, #tpu.memory_space<vmem_shared>>)
        tpu.yield
      }) : () -> ()
    } else {
    }
    %barrier3A_133 = arith.constant 0 : index
    tpu.barrier barrier_id(%barrier3A_133)
    %add3A_134 = arith.constant 4 : i32
    %add3A_135 = arith.addi %add3A_134, %arg0 : i32
    "tpu.region"() ({
      %run_scoped3A_137 = tpu.sem_alloc : memref<!tpu.dma_semaphore, #tpu.memory_space<semaphore_mem>>
      %dma_start3A_138 = arith.constant 0 : i32
      %dma_start3A_139 = tpu.memref_slice %arg5[%add3A_135, %mul3A_6, %dma_start3A_138] : memref<6x10112x128xf32, #tpu.memory_space<hbm>> -> memref<1x632x128xf32, #tpu.memory_space<hbm>>
      %dma_start3A_140 = tpu.memref_squeeze %dma_start3A_139 : memref<1x632x128xf32, #tpu.memory_space<hbm>> -> memref<632x128xf32, #tpu.memory_space<hbm>>
      %dma_start3A_141 = arith.constant 0 : i32
      %dma_start3A_142 = tpu.memref_slice %arg6[%mul3A_6, %dma_start3A_141] : memref<10112x128xf32, #tpu.memory_space<vmem_shared>> -> memref<632x128xf32, #tpu.memory_space<vmem_shared>>
      tpu.enqueue_dma source(%dma_start3A_142 : memref<632x128xf32, #tpu.memory_space<vmem_shared>>) target(%dma_start3A_140 : memref<632x128xf32, #tpu.memory_space<hbm>>) target_semaphore(%run_scoped3A_137 : memref<!tpu.dma_semaphore, #tpu.memory_space<semaphore_mem>>)
      %dma_wait3A_143 = arith.constant 0 : i32
      %dma_wait3A_144 = tpu.memref_slice %arg5[%add3A_135, %mul3A_6, %dma_wait3A_143] : memref<6x10112x128xf32, #tpu.memory_space<hbm>> -> memref<1x632x128xf32, #tpu.memory_space<hbm>>
      %dma_wait3A_145 = tpu.memref_squeeze %dma_wait3A_144 : memref<1x632x128xf32, #tpu.memory_space<hbm>> -> memref<632x128xf32, #tpu.memory_space<hbm>>
      %dma_wait3A_146 = arith.constant 0 : i32
      %dma_wait3A_147 = tpu.memref_slice %arg6[%mul3A_6, %dma_wait3A_146] : memref<10112x128xf32, #tpu.memory_space<vmem_shared>> -> memref<632x128xf32, #tpu.memory_space<vmem_shared>>
      tpu.wait_dma2 semaphore(%run_scoped3A_137 : memref<!tpu.dma_semaphore, #tpu.memory_space<semaphore_mem>>) src(%dma_wait3A_147 : memref<632x128xf32, #tpu.memory_space<vmem_shared>>) dst(%dma_wait3A_145 : memref<632x128xf32, #tpu.memory_space<hbm>>)
      tpu.yield
    }) : () -> ()
    %barrier3A_136 = arith.constant 0 : index
    tpu.barrier barrier_id(%barrier3A_136)
    return
  }
}

module attributes {stable_mosaic.version = 14 : i64} {
  func.func @_tc_body(%arg0: i32, %arg1: memref<6x2000x128xf32, #tpu.memory_space<vmem>>, %arg2: memref<2000x128xf32, #tpu.memory_space<vmem>>, %arg3: memref<4x128x128xf32, #tpu.memory_space<vmem>>, %arg4: memref<2000x128xf32, #tpu.memory_space<vmem>>) attributes {dimension_semantics = [#tpu.dimension_semantics<arbitrary>], iteration_bounds = array<i64: 5>, scalar_prefetch = 0 : i64, scratch_operands = 0 : i64, tpu.core_type = #tpu.core_type<tc>, window_params = [{transform_indices = @transform_0, window_bounds = array<i64: 6, 2000, 128>}, {transform_indices = @transform_1, window_bounds = array<i64: 2000, 128>}, {pipeline_mode = #tpu.pipeline_mode<synchronous>, transform_indices = @transform_2, window_bounds = array<i64: 4, 128, 128>}, {transform_indices = @transform_3, window_bounds = array<i64: 2000, 128>}]} {
    %get3A = arith.constant 0 : index
    %get3A_0 = arith.constant 0 : index
    %get3A_1 = arith.constant 0 : index
    %get3A_2 = vector.load %arg1[%get3A, %get3A_0, %get3A_1] : memref<6x2000x128xf32, #tpu.memory_space<vmem>>, vector<1x2000x128xf32>
    %get3A_3 = vector.shape_cast %get3A_2 : vector<1x2000x128xf32> to vector<2000x128xf32>
    %get3A_4 = arith.constant 1 : index
    %get3A_5 = arith.constant 0 : index
    %get3A_6 = arith.constant 0 : index
    %get3A_7 = vector.load %arg1[%get3A_4, %get3A_5, %get3A_6] : memref<6x2000x128xf32, #tpu.memory_space<vmem>>, vector<1x2000x128xf32>
    %get3A_8 = vector.shape_cast %get3A_7 : vector<1x2000x128xf32> to vector<2000x128xf32>
    %add3A = arith.addf %get3A_3, %get3A_8 : vector<2000x128xf32>
    %get3A_9 = arith.constant 2 : index
    %get3A_10 = arith.constant 0 : index
    %get3A_11 = arith.constant 0 : index
    %get3A_12 = vector.load %arg1[%get3A_9, %get3A_10, %get3A_11] : memref<6x2000x128xf32, #tpu.memory_space<vmem>>, vector<1x2000x128xf32>
    %get3A_13 = vector.shape_cast %get3A_12 : vector<1x2000x128xf32> to vector<2000x128xf32>
    %get3A_14 = arith.constant 3 : index
    %get3A_15 = arith.constant 0 : index
    %get3A_16 = arith.constant 0 : index
    %get3A_17 = vector.load %arg1[%get3A_14, %get3A_15, %get3A_16] : memref<6x2000x128xf32, #tpu.memory_space<vmem>>, vector<1x2000x128xf32>
    %get3A_18 = vector.shape_cast %get3A_17 : vector<1x2000x128xf32> to vector<2000x128xf32>
    %add3A_19 = arith.addf %get3A_13, %get3A_18 : vector<2000x128xf32>
    %get3A_20 = arith.constant 4 : index
    %get3A_21 = arith.constant 0 : index
    %get3A_22 = arith.constant 0 : index
    %get3A_23 = vector.load %arg1[%get3A_20, %get3A_21, %get3A_22] : memref<6x2000x128xf32, #tpu.memory_space<vmem>>, vector<1x2000x128xf32>
    %get3A_24 = vector.shape_cast %get3A_23 : vector<1x2000x128xf32> to vector<2000x128xf32>
    %get3A_25 = arith.constant 5 : index
    %get3A_26 = arith.constant 0 : index
    %get3A_27 = arith.constant 0 : index
    %get3A_28 = vector.load %arg1[%get3A_25, %get3A_26, %get3A_27] : memref<6x2000x128xf32, #tpu.memory_space<vmem>>, vector<1x2000x128xf32>
    %get3A_29 = vector.shape_cast %get3A_28 : vector<1x2000x128xf32> to vector<2000x128xf32>
    %add3A_30 = arith.addf %get3A_24, %get3A_29 : vector<2000x128xf32>
    %get3A_31 = arith.constant 0 : index
    %get3A_32 = arith.constant 0 : index
    %get3A_33 = vector.load %arg2[%get3A_31, %get3A_32] : memref<2000x128xf32, #tpu.memory_space<vmem>>, vector<2000x128xf32>
    %get3A_34 = arith.constant 3 : index
    %get3A_35 = arith.constant 0 : index
    %get3A_36 = arith.constant 0 : index
    %get3A_37 = vector.load %arg3[%get3A_34, %get3A_35, %get3A_36] : memref<4x128x128xf32, #tpu.memory_space<vmem>>, vector<1x128x128xf32>
    %get3A_38 = vector.shape_cast %get3A_37 : vector<1x128x128xf32> to vector<128x128xf32>
    %dot_general3A = arith.constant dense<0.000000e+00> : vector<2000x128xf32>
    %dot_general3A_39 = tpu.matmul %get3A_33, %get3A_38, %dot_general3A {dimension_numbers = #tpu.dot_dimension_numbers<[1], [0], [0], [1], [0, 0, 1, 1], [], []>, transpose_lhs_hint = false} : vector<2000x128xf32>, vector<128x128xf32>, vector<2000x128xf32> -> vector<2000x128xf32>
    %get3A_40 = arith.constant 0 : index
    %get3A_41 = arith.constant 0 : index
    %get3A_42 = arith.constant 0 : index
    %get3A_43 = vector.load %arg3[%get3A_40, %get3A_41, %get3A_42] : memref<4x128x128xf32, #tpu.memory_space<vmem>>, vector<1x128x128xf32>
    %get3A_44 = vector.shape_cast %get3A_43 : vector<1x128x128xf32> to vector<128x128xf32>
    %dot_general3A_45 = arith.constant dense<0.000000e+00> : vector<2000x128xf32>
    %dot_general3A_46 = tpu.matmul %add3A, %get3A_44, %dot_general3A_45 {dimension_numbers = #tpu.dot_dimension_numbers<[1], [0], [0], [1], [0, 0, 1, 1], [], []>, transpose_lhs_hint = false} : vector<2000x128xf32>, vector<128x128xf32>, vector<2000x128xf32> -> vector<2000x128xf32>
    %add3A_47 = arith.addf %dot_general3A_39, %dot_general3A_46 : vector<2000x128xf32>
    %get3A_48 = arith.constant 1 : index
    %get3A_49 = arith.constant 0 : index
    %get3A_50 = arith.constant 0 : index
    %get3A_51 = vector.load %arg3[%get3A_48, %get3A_49, %get3A_50] : memref<4x128x128xf32, #tpu.memory_space<vmem>>, vector<1x128x128xf32>
    %get3A_52 = vector.shape_cast %get3A_51 : vector<1x128x128xf32> to vector<128x128xf32>
    %dot_general3A_53 = arith.constant dense<0.000000e+00> : vector<2000x128xf32>
    %dot_general3A_54 = tpu.matmul %add3A_19, %get3A_52, %dot_general3A_53 {dimension_numbers = #tpu.dot_dimension_numbers<[1], [0], [0], [1], [0, 0, 1, 1], [], []>, transpose_lhs_hint = false} : vector<2000x128xf32>, vector<128x128xf32>, vector<2000x128xf32> -> vector<2000x128xf32>
    %add3A_55 = arith.addf %add3A_47, %dot_general3A_54 : vector<2000x128xf32>
    %get3A_56 = arith.constant 2 : index
    %get3A_57 = arith.constant 0 : index
    %get3A_58 = arith.constant 0 : index
    %get3A_59 = vector.load %arg3[%get3A_56, %get3A_57, %get3A_58] : memref<4x128x128xf32, #tpu.memory_space<vmem>>, vector<1x128x128xf32>
    %get3A_60 = vector.shape_cast %get3A_59 : vector<1x128x128xf32> to vector<128x128xf32>
    %dot_general3A_61 = arith.constant dense<0.000000e+00> : vector<2000x128xf32>
    %dot_general3A_62 = tpu.matmul %add3A_30, %get3A_60, %dot_general3A_61 {dimension_numbers = #tpu.dot_dimension_numbers<[1], [0], [0], [1], [0, 0, 1, 1], [], []>, transpose_lhs_hint = false} : vector<2000x128xf32>, vector<128x128xf32>, vector<2000x128xf32> -> vector<2000x128xf32>
    %sub3A = arith.subf %add3A_55, %dot_general3A_62 : vector<2000x128xf32>
    %max3A = arith.constant 0.000000e+00 : f32
    %max3A_63 = vector.broadcast %max3A : f32 to vector<2000x128xf32>
    %max3A_64 = arith.maximumf %sub3A, %max3A_63 : vector<2000x128xf32>
    %swap3A = arith.constant 0 : index
    %swap3A_65 = arith.constant 0 : index
    %swap3A_66 = vector.load %arg4[%swap3A, %swap3A_65] : memref<2000x128xf32, #tpu.memory_space<vmem>>, vector<2000x128xf32>
    tpu.vector_store %arg4[%swap3A, %swap3A_65], %max3A_64 {strides = array<i32>} : memref<2000x128xf32, #tpu.memory_space<vmem>>, vector<2000x128xf32>,
    return
  }
  func.func @transform_0(%arg0: i32) -> (i32, i32, i32) {
    %c0_i32 = arith.constant 0 : i32
    %c0_i32_0 = arith.constant 0 : i32
    %c0_i32_1 = arith.constant 0 : i32
    return %c0_i32, %arg0, %c0_i32_0 : i32, i32, i32
  }
  func.func @transform_1(%arg0: i32) -> (i32, i32) {
    %c0_i32 = arith.constant 0 : i32
    %c0_i32_0 = arith.constant 0 : i32
    return %arg0, %c0_i32 : i32, i32
  }
  func.func @transform_2(%arg0: i32) -> (i32, i32, i32) {
    %c0_i32 = arith.constant 0 : i32
    %c0_i32_0 = arith.constant 0 : i32
    %c0_i32_1 = arith.constant 0 : i32
    %c0_i32_2 = arith.constant 0 : i32
    return %c0_i32, %c0_i32_0, %c0_i32_1 : i32, i32, i32
  }
  func.func @transform_3(%arg0: i32) -> (i32, i32) {
    %c0_i32 = arith.constant 0 : i32
    %c0_i32_0 = arith.constant 0 : i32
    return %arg0, %c0_i32 : i32, i32
  }
}

</mosaic_0001>

<sc_bundles>
// kernel: kernel.4.cloned.1.call-start
scs
__scs_entry_jumppad:
0x0: {  	(pc) =	sbr.rel $0x88, $3  }
0x1: {  	(tag) =	ssettag $0x0;
	lr =	simm.s32 $0x1  }
0x2: {  	[smem:$0x3F99] =	sst lr;
	_ =	strace $0xD0000000  }
0x3: {  	_ = 	snop  }
0x4: {  	_ = 	snop  }
0x5: {  	_ = 	snop  }
0x6: {  	_ = 	snop  }
0x7: {  	_ = 	snop  }
__scs_overlays_trampoline_lowered:
0x8: {  	[smem:$0x3FA8] =	sst s0  }
0x9: {  	[smem:$0x3FA9] =	sst s1  }
0xa: {  	[smem:$0x3FAA] =	sst s2  }
0xb: {  	[smem:$0x3FAB] =	sst s3  }
0xc: {  	[smem:$0x3FAC] =	sst s4  }
0xd: {  	[smem:$0x3FAD] =	sst s5  }
0xe: {  	[smem:$0x3FAE] =	sst s6  }
0xf: {  	[smem:$0x3FAF] =	sst s7  }
0x10: {  	[smem:$0x3FB0] =	sst s8  }
0x11: {  	[smem:$0x3FB1] =	sst s9;
	s0 =	simm.s32 @!p0 $0x0  }
0x12: {  	s1 =	sld [smem:$0x3F97];
	s0 =	simm.s32 @p0 $0x1  }
0x13: {  	[smem:$0x3FB2] =	sst s0;
	s0 =	simm.s32 @!p1 $0x0  }
0x14: {  	s2 =	sld [smem:$0x3F96];
	s0 =	simm.s32 @p1 $0x1  }
0x15: {  	[smem:$0x3FB3] =	sst s0;
	s0 =	simm.s32 @!p2 $0x0  }
0x16: {  	s3 =	sld [smem:$0x3FDB];
	s0 =	simm.s32 @p2 $0x1  }
0x17: {  	s4 =	simm.s32 $0x1BF5;
	[smem:$0x3FB5] =	sst s0  }
0x18: {  	s0 =	sld [smem:$0x3F98];
	_ =	swait.ge [sflag:s4], $0x0  }
0x19: {  	s7 =	sld [smem:$0x3F99]  }
0x1a: {  	s8 =	sadd.s32 $0xFFFFE003, lr  }
0x1b: {  	s9 =	sadd.s32 $0xFFFFFEF7, lr;
	s5 =	simm.s32 $0xFFFFFFFF;
	p2 =	slt.u32 s8, $0xFFFFF086  }
0x1c: {  	p1 =	slt.u32 s9, $0xF7A;
	s5 =	simm.s32 @!p2 $0x0  }
0x1d: {  	s5 =	simm.s32 @p1 $0x1;
	p0 =	seq.s32 s7, s2  }
0x1e: {  	s7 =	smul.u32 @!p0 $0xF7A, s2;
	p2 =	seq.s32 @!p0 s5, $0x0  }
0x1f: {  	s9 =	smul.u32 $0xF7A, s1;
	s8 =	simm.s32 @!p0 $0x1BF5;
	p2 =	por !p2, p0  }
0x20: {  	[sflag:s8] =	ssyncset.s32 @!p0 $0xFFFFF086;
	s6 =	sadd.s32 @!p0 s3, s7;
	s7 =	simm.s32 @!p0 $0x108  }
0x21: {  	s3 =	sadd.s32 s3, s9;
	s6 =	sadd.s32 @!p0 $0x88, s6;
	s7 =	simm.s32 @p2 $0x1082  }
0x22: {  	[simem:s7], [sflag:s8] =	dma.local @!p0 [hbm:s6], $0xF7A  }
0x23: {  	s9 =	sor.u32 $0xD0000000, s2;
	s6 =	simm.s32 $0x108;
	_ =	swait.ge @!p0 [sflag:s8], $0x0  }
0x24: {  	s3 =	sadd.s32 $0x88, s3;
	s6 =	simm.s32 @!p1 $0x1082;
	[sflag:s4] =	ssyncset.s32 $0xFFFFF086  }
0x25: {  	[simem:s6], [sflag:s4] =	dma.local [hbm:s3], $0xF7A  }
0x26: {  	[smem:$0x3F99] =	sst s1;
	(tag) =	ssettag s2;
	_ =	strace s9  }
0x27: {  	s1 =	sld [smem:$0x3FA9]  }
0x28: {  	s2 =	sld [smem:$0x3FAA]  }
0x29: {  	s4 =	sld [smem:$0x3FAC]  }
0x2a: {  	p0 =	seq.s32 s5, $0x0;
	s5 =	sld [smem:$0x3FAD]  }
0x2b: {  	s6 =	sld [smem:$0x3FAE]  }
0x2c: {  	s7 =	sld [smem:$0x3FAF]  }
0x2d: {  	s3 =	simm.s32 $0x108;
	s8 =	sld [smem:$0x3FB0]  }
0x2e: {  	s3 =	simm.s32 @!p0 $0x1082;
	s9 =	sld [smem:$0x3FB1]  }
0x2f: {  	lr =	sadd.s32 s0, s3;
	s0 =	sld [smem:$0x3FA8]  }
0x30: {  	s3 =	sld [smem:$0x3FAB]  }
0x31: {  	[smem:$0x3FB4] =	sst s10  }
0x32: {  	s10 =	sld [smem:$0x3FB2];
	_ =	sdelay $0x3  }
0x33: {  	p0 =	seq.s32 s10, $0x1;
	s10 =	sld [smem:$0x3FB4];
	_ =	sdelay $0x3  }
0x34: {  	[smem:$0x3FB4] =	sst s10  }
0x35: {  	s10 =	sld [smem:$0x3FB3];
	_ =	sdelay $0x3  }
0x36: {  	p1 =	seq.s32 s10, $0x1;
	s10 =	sld [smem:$0x3FB4];
	_ =	sdelay $0x3  }
0x37: {  	[smem:$0x3FB4] =	sst s10  }
0x38: {  	s10 =	sld [smem:$0x3FB5]  }
0x39: {  	_ = 	snop;
	(pc) =	sbr.ind lr, $3  }
0x3a: {  	_ = 	snop  }
0x3b: {  	_ = 	snop  }
0x3c: {  	p2 =	seq.s32 s10, $0x1;
	s10 =	sld [smem:$0x3FB4]  }
0x3d: {  	_ =	shalt  }
0x3e: {  	_ =	shalt  }
0x3f: {  	_ =	shalt  }
0x40: {  	_ =	shalt  }
0x41: {  	_ =	shalt  }
0x42: {  	_ =	shalt  }
0x43: {  	_ =	shalt  }
0x44: {  	_ =	shalt  }
0x45: {  	_ =	shalt  }
0x46: {  	_ =	shalt  }
0x47: {  	_ =	shalt  }
0x48: {  	_ =	shalt  }
0x49: {  	_ =	shalt  }
0x4a: {  	_ =	shalt  }
0x4b: {  	_ =	shalt  }
0x4c: {  	_ =	shalt  }
0x4d: {  	_ =	shalt  }
0x4e: {  	_ =	shalt  }
0x4f: {  	_ =	shalt  }
0x50: {  	_ =	shalt  }
0x51: {  	_ =	shalt  }
0x52: {  	_ =	shalt  }
0x53: {  	_ =	shalt  }
0x54: {  	_ =	shalt  }
0x55: {  	_ =	shalt  }
0x56: {  	_ =	shalt  }
0x57: {  	_ =	shalt  }
0x58: {  	_ =	shalt  }
0x59: {  	_ =	shalt  }
0x5a: {  	_ =	shalt  }
0x5b: {  	_ =	shalt  }
0x5c: {  	_ =	shalt  }
0x5d: {  	_ =	shalt  }
0x5e: {  	_ =	shalt  }
0x5f: {  	_ =	shalt  }
0x60: {  	_ =	shalt  }
0x61: {  	_ =	shalt  }
0x62: {  	_ =	shalt  }
0x63: {  	_ =	shalt  }
0x64: {  	_ =	shalt  }
0x65: {  	_ =	shalt  }
0x66: {  	_ =	shalt  }
0x67: {  	_ =	shalt  }
0x68: {  	_ =	shalt  }
0x69: {  	_ =	shalt  }
0x6a: {  	_ =	shalt  }
0x6b: {  	_ =	shalt  }
0x6c: {  	_ =	shalt  }
0x6d: {  	_ =	shalt  }
0x6e: {  	_ =	shalt  }
0x6f: {  	_ =	shalt  }
0x70: {  	_ =	shalt  }
0x71: {  	_ =	shalt  }
0x72: {  	_ =	shalt  }
0x73: {  	_ =	shalt  }
0x74: {  	_ =	shalt  }
0x75: {  	_ =	shalt  }
0x76: {  	_ =	shalt  }
0x77: {  	_ =	shalt  }
0x78: {  	_ =	shalt  }
0x79: {  	_ =	shalt  }
0x7a: {  	_ =	shalt  }
0x7b: {  	_ =	shalt  }
0x7c: {  	_ =	shalt  }
0x7d: {  	_ =	shalt  }
0x7e: {  	_ =	shalt  }
0x7f: {  	_ =	shalt  }
0x80: {  	_ =	shalt  }
0x81: {  	_ =	shalt  }
0x82: {  	_ =	shalt  }
0x83: {  	_ =	shalt  }
0x84: {  	_ =	shalt  }
0x85: {  	_ =	shalt  }
0x86: {  	_ =	shalt  }
0x87: {  	_ =	shalt  }
.Lfunc_end0:
.L_simem_size_0:
called_computation_lowered:
.L_overlay_start_0:
0x88: {  	s2 =	sld [smem:$0x3FD9]  }
0x89: {  	s3 =	sld [smem:$0x3FFE];
	_ =	sdelay $0x1  }
0x8a: {  	s1 =	srdreg.scid  }
0x8b: {  	s0 =	sand.u32 $0x1, s1  }
0x8c: {  	s17 =	sshll.u32 s0, $0xA;
	s2 =	sadd.s32 s3, s2  }
0x8d: {  	s2 =	sadd.s32 s2, s17  }
0x8e: {  	[smem:$0x3FC0] =	sst s2  }
0x8f: {  	_ = 	snop  }
0x90: {  	s2 =	sld [smem:$0x3FC9]  }
0x91: {  	s18 =	sld [smem:$0x3FD0];
	(tm) =	ssettm $0x1  }
0x92: {  	s4 =	sld [smem:$0x3FFB];
	_ =	sdelay $0x3  }
0x93: {  	_ =	strace s4  }
0x94: {  	s4 =	sld [smem:$0x3FFC];
	_ =	sdelay $0x3  }
0x95: {  	_ =	strace s4  }
0x96: {  	s4 =	sld [smem:$0x3FFD];
	_ =	sdelay $0x3  }
0x97: {  	_ =	strace s4  }
0x98: {  	_ =	strace $0x8FFFFFFF  }
0x99: {  	s19 =	sld [smem:$0x3FDB];
	_ =	sdelay $0x1  }
0x9a: {  	s5 =	simm.s32 $_scs_section_size  }
0x9b: {  	s6 =	simm.s32 $_size__tile_overlayer_lowered;
	s7 =	simm.s32 $_tile_overlayer_lowered  }
0x9c: {  	s22 =	simm.s32 $0x1BFF;
	s21 =	sshll.u32 s7, $0x1;
	s4 =	sadd.s32 s5, s19  }
0x9d: {  	s8 =	simm.s32 $0x0;
	s20 =	sshll.u32 s6, $0x1;
	s6 =	sadd.s32 s21, s4  }
0x9e: {  	[timem:s8], [sflag:s22] =	dma.local [hbm:s6], s20  }
0x9f: {  	_ =	swait.ge [sflag:s22], s20  }
0xa0: {  	s5 =	ssub.s32 $0x0, s20;
	[sflag:s22] =	ssyncset.done $0x0  }
0xa1: {  	[sflag:s22] =	ssyncadd.s32 s5;
	_ =	sdelay $0x1  }
0xa2: {  	s23 =	simm.s32 $0x1B8B  }
0xa3: {  	_ =	swait.ge [sflag:s23], $0x1  }
0xa4: {  	[sflag:s23] =	ssyncset.done $0x0  }
0xa5: {  	s25 =	simm.s32 $0x1B8E;
	s24 =	sld [smem:$0x3FFE];
	[sflag:s23] =	ssyncadd.s32 $0xFFFFFFFF  }
0xa6: {  	s26 =	simm.s32 $execute0_lowered;
	[smem:$0x3FD2] =	sst s25  }
0xa7: {  	s6 =	sshll.u32 s26, $0x1;
	_ =	strace $0x80000046;
	[dreg:$0x1] =	wrdreg $0xFFFFFFFF  }
0xa8: {  	s28 =	simm.s32 $_size_execute0_lowered;
	s4 =	sadd.s32 s4, s6;
	[dreg:$0x0] =	wrdreg $0x0  }
0xa9: {  	s6 =	sshll.u32 s28, $0x1;
	[dreg:$0x2] =	wrdreg s4  }
0xaa: {  	[dreg:$0x3] =	wrdreg s6  }
0xab: {  	[dreg:$0x4] =	wrdreg $0xC0  }
0xac: {  	_ =	task [dreg:s8], $0x5FFFF  }
0xad: {  	[dreg:$0x1] =	wrdreg $0xFFFFFFFF  }
0xae: {  	[dreg:$0x0] =	wrdreg $0x60  }
0xaf: {  	[dreg:$0x2] =	wrdreg s2  }
0xb0: {  	[dreg:$0x3] =	wrdreg s18  }
0xb1: {  	[dreg:$0x4] =	wrdreg s24  }
0xb2: {  	[dreg:$0x5] =	wrdreg $0x0  }
0xb3: {  	[dreg:$0x6] =	wrdreg $0x9  }
0xb4: {  	_ =	task.clear_ibuf [dreg:s8], $0x7FFFF;
	_ =	strace $0x90000046  }
0xb5: {  	s29 =	simm.s32 $0x9;
	_ =	strace $0x80000048  }
0xb6: {  	_ =	swait.ge [sflag:s29], $0x1  }
0xb7: {  	[sflag:s29] =	ssyncadd.s32 $0xFFFFFFFF  }
0xb8: {  	_ =	strace $0x90000048  }
0xb9: {  	_ =	sfence  }
0xba: {  	s30 =	sld [smem:$0x0];
	_ =	sdelay $0x2  }
0xbb: {  	s31 =	sshll.u32 s1, $0xD;
	s1 =	sshrl.u32 s1, $0x2  }
0xbc: {  	s3 =	sand.u32 $0x4000, s31;
	s1 =	sadd.s32 s1, s30  }
0xbd: {  	s0 =	sor.u32 s3, s0;
	s1 =	sshll.u32 s1, $0x11  }
0xbe: {  	s0 =	sor.u32 s1, s0  }
0xbf: {  	s0 =	sadd.s32 $0x8F2B, s0  }
0xc0: {  	[sflag:s0] =	ssyncadd.remote.s32 $0x1  }
0xc1: {  	_ =	sfence.sel $0xFFFF  }
0xc2: {  	[dreg:$0x0] =	wrdreg $0xFFFFFFFF;
	(pc) =	sbr.abs _section_cstart, $3  }
0xc3: {  	[dreg:$0x1] =	wrdreg $0xFFFFFFFF  }
0xc4: {  	_ =	task.clear_ibuf [dreg:s8], $0x2FFFF;
	_ =	strace $0x9FFFFFFF  }
0xc5: {  	(tm) =	ssettm $0x7FFFFFFF  }
tec
execute0_lowered:
.L_overlay_start_1:
0x0: {  	(tag) =	ssettag $0x1  }
0x1: {  	s1 =	rddreg [dreg:$0x0]  }
0x2: {  	s0 =	rddreg [dreg:$0x1]  }
0x3: {  	s5 =	rddreg [dreg:$0x2]  }
0x4: {  	s3 =	rddreg [dreg:$0x3]  }
0x5: {  	s2 =	srdreg.scid;
	s13 =	stileid.u32;
	s4 =	simm.s32 $0x0  }
0x6: {  	s28 =	simm.s32 $0x1;
	s29 =	simm.s32 $0x1FD00;
	s14 =	smul.u32 $0x13C00, s13  }
0x7: {  	s30 =	simm.s32 $0x1FE80;
	s31 =	simm.s32 $0x1BC00;
	s10 =	smul.u32 $0x4F000, s13  }
0x8: {  	s6 =	sand.u32 $0x1, s2;
	[smem:$0x7FF] =	sst s4;
	s12 =	smul.u32 $0x2700, s13  }
0x9: {  	s9 =	sadd.s32 $0x1400, s5;
	s19 =	sshll.u32 s13, $0x6;
	s20 =	smul.u32 $0x4E0, s13  }
0xa: {  	s7 =	smul.u32 $0x13C000, s6;
	_ =	strace $0x80000047;
	s8 =	sshll.u32 s6, $0x4  }
0xb: {  	[dreg:$0x5] =	wrdreg s9;
	s15 =	ssub.s32 $0x2, s6;
	s11 =	smul.u32 $0x4E00, s6  }
0xc: {  	s6 =	smul.u32 $0x27000, s6;
	s2 =	sor.u32 s13, s8;
	s17 =	sshrl.u32 s15, $0x1  }
0xd: {  	s10 =	sshrl.u32 s10, $0x2;
	s7 =	sadd.s32 s14, s7;
	s16 =	smul.u32 $0x27, s2  }
0xe: {  	s18 =	smin.u32 s2, $0x2;
	s10 =	sadd.s32 s10, s3;
	s14 =	sor.u32 $0x1C07, s19  }
0xf: {  	s11 =	sadd.s32 s11, s0;
	s6 =	sadd.s32 s12, s6;
	p0 =	sgt.u32 s2, $0x1  }
0x10: {  	s7 =	sshrl.u32 s7, $0x3;
	[dreg:$0x6] =	wrdreg s10;
	s21 =	sshll.u32 s18, $0x8  }
0x11: {  	s10 =	sadd.s32 s20, s11;
	s8 =	sshll.u32 s18, $0x5;
	s12 =	smov.u32 s14  }
0x12: {  	s5 =	sadd.s32 s7, s5;
	s7 =	ssub.s32 s15, s17;
	s9 =	sadd.s32 s18, s16  }
0x13: {  	s6 =	sadd.s32 s21, s6;
	[dreg:$0x7] =	wrdreg s12;
	s9 =	sshll.u32 s9, $0x5  }
0x14: {  	s22 =	sadd.s32 $0x4E600, s6;
	s23 =	sadd.s32 $0x4E680, s6;
	s24 =	sadd.s32 $0x4E500, s6  }
0x15: {  	s14 =	sadd.s32 $0x4E580, s6;
	s15 =	sadd.s32 $0x4E400, s6;
	s16 =	sadd.s32 $0x4E480, s6  }
0x16: {  	s19 =	sadd.s32 $0x9C800, s6;
	s21 =	sadd.s32 $0x9C700, s6;
	s13 =	sadd.s32 s0, s9  }
0x17: {  	s9 =	sadd.s32 s8, s10;
	s8 =	sshrl.u32 s22, $0x3;
	s10 =	sadd.s32 $0xA1C00, s5  }
0x18: {  	s25 =	sshrl.u32 s23, $0x3;
	s26 =	sshrl.u32 s24, $0x3;
	[dreg:$0xf] =	wrdreg s10  }
0x19: {  	s17 =	sshrl.u32 s15, $0x3;
	s18 =	sshrl.u32 s16, $0x3;
	[dreg:$0x8] =	wrdreg s13  }
0x1a: {  	s23 =	sshrl.u32 s21, $0x3;
	s8 =	sadd.s32 s8, s0;
	[smem:$0x7FB] =	sst s9  }
0x1b: {  	s11 =	sadd.s32 s26, s0;
	s15 =	sadd.s32 s18, s0;
	[dreg:$0x9] =	wrdreg s8  }
0x1c: {  	s18 =	sadd.s32 s23, s0;
	s23 =	sadd.s32 $0x20, s13;
	[dreg:$0xb] =	wrdreg s11  }
0x1d: {  	s20 =	sadd.s32 $0x9C880, s6;
	s2 =	sadd.s32 $0x9C40, s13;
	[dreg:$0x12] =	wrdreg s23  }
0x1e: {  	s22 =	sshrl.u32 s20, $0x3;
	s10 =	sadd.s32 $0xA130, s13;
	[dreg:$0x16] =	wrdreg s2  }
0x1f: {  	s24 =	sadd.s32 $0x9C780, s6;
	s8 =	sadd.s32 s25, s0;
	[dreg:$0x1b] =	wrdreg s10  }
0x20: {  	s25 =	sadd.s32 $0x9C600, s6;
	s6 =	sadd.s32 $0x9C680, s6;
	[smem:$0x7FD] =	sst s15  }
0x21: {  	s11 =	smax.u32 s7, $0x1;
	s7 =	sadd.s32 $0x9C70, s13;
	[dreg:$0xa] =	wrdreg s8  }
0x22: {  	s23 =	sadd.s32 $0x138A0, s13;
	s2 =	simm.s32 $0x1FC00;
	[dreg:$0x10] =	wrdreg s11  }
0x23: {  	s8 =	sshrl.u32 s14, $0x3;
	s14 =	sadd.s32 s17, s0;
	[dreg:$0x19] =	wrdreg s7  }
0x24: {  	s17 =	sadd.s32 s22, s0;
	s22 =	sadd.s32 $0x10, s13;
	[dreg:$0x1e] =	wrdreg s23  }
0x25: {  	s26 =	sshrl.u32 s25, $0x3;
	s25 =	sadd.s32 $0x4E0, s13;
	[dreg:$0x11] =	wrdreg s22  }
0x26: {  	s10 =	simm.s32 $0x5;
	s11 =	sadd.s32 $0x13880, s13;
	[dreg:$0x14] =	wrdreg s25  }
0x27: {  	s6 =	sshrl.u32 s6, $0x3;
	s8 =	sadd.s32 s8, s0;
	[dreg:$0x1c] =	wrdreg s11  }
0x28: {  	s21 =	sadd.s32 s6, s0;
	s6 =	sadd.s32 $0x3C00, s5;
	[dreg:$0xc] =	wrdreg s8  }
0x29: {  	s20 =	sadd.s32 s26, s0;
	s26 =	sadd.s32 $0x4F0, s13;
	[dreg:$0xd] =	wrdreg s6  }
0x2a: {  	s23 =	simm.s32 $0x13C00;
	s22 =	sadd.s32 $0x13890, s13;
	[dreg:$0x15] =	wrdreg s26  }
0x2b: {  	s7 =	simm.s32 $0x4;
	s25 =	sadd.s32 $0x13D60, s13;
	[dreg:$0x1d] =	wrdreg s22  }
0x2c: {  	s8 =	sshrl.u32 s19, $0x3;
	s6 =	sadd.s32 $0x9C60, s13;
	[smem:$0x7F9] =	sst s25  }
0x2d: {  	s26 =	sadd.s32 $0x13D70, s13;
	s22 =	simm.s32 $0x80;
	s25 =	simm.s32 $0x1FE00  }
0x2e: {  	s16 =	sadd.s32 s8, s0;
	s8 =	sshrl.u32 s24, $0x3;
	[dreg:$0x18] =	wrdreg s6  }
0x2f: {  	s24 =	sadd.s32 $0x30, s13;
	[smem:$0x7FA] =	sst s26;
	s6 =	simm.s32 $0x1FD80  }
0x30: {  	s19 =	sadd.s32 s8, s0;
	s8 =	sadd.s32 $0x52C00, s5;
	[dreg:$0x13] =	wrdreg s24  }
.Ltmp0:
0x31: {  	s5 =	sadd.s32 $0x9C50, s13;
	[dreg:$0xe] =	wrdreg s8;
	(pc) =	sbr.rel .LBB2_1-.Ltmp0, $4  }
0x32: {  	s26 =	simm.s32 $0x17C00;
	s24 =	sadd.s32 $0x138B0, s13;
	[dreg:$0x17] =	wrdreg s5  }
0x33: {  	s0 =	simm.s32 $0x7;
	s8 =	sadd.s32 $0xA120, s13;
	[dreg:$0x1f] =	wrdreg s24  }
0x34: {  	s24 =	simm.s32 $0x1FC80;
	s5 =	simm.s32 $0x3;
	[smem:$0x7FC] =	sst s19  }
0x35: {  	s13 =	simm.s32 $0x0;
	[dreg:$0x1a] =	wrdreg s8;
	s8 =	simm.s32 $0x2  }
.LBB2_10:
0x36: {  	_ =	swait.ge [sflag:s5], $0x4000  }
0x37: {  	[sflag:s5] =	ssyncset.done $0x0  }
0x38: {  	[sflag:s5] =	ssyncadd.s32 $0xFFFFC000  }
0x39: {  	[spmem:s3] =	stream.indirect.scatter.add.f32 [tilespmem:s31], [sflag:$0x6], $0x80, s30, s22, $0xb8;
	[tilespmem:$0x1FF00] =	vst v63  }
0x3a: {  	_ =	swait.ge [sflag:s7], $0x4000  }
0x3b: {  	[sflag:s7] =	ssyncset.done $0x0  }
0x3c: {  	[sflag:s7] =	ssyncadd.s32 $0xFFFFC000  }
0x3d: {  	_ =	swait.ge [sflag:s10], $0x4000  }
0x3e: {  	[sflag:s10] =	ssyncset.done $0x0  }
0x3f: {  	s11 =	simm.s32 $0x6;
	[sflag:s10] =	ssyncadd.s32 $0xFFFFC000  }
0x40: {  	_ =	swait.ge [sflag:s11], $0x4000  }
0x41: {  	s12 =	sld [smem:$0x7F9]  }
0x42: {  	[sflag:s11] =	ssyncset.done $0x0  }
0x43: {  	s13 =	simm.s32 @!p0 $0x1FC00;
	[sflag:s11] =	ssyncadd.s32 $0xFFFFC000;
	s11 =	simm.s32 @!p0 $0x0  }
0x44: {  	[tilespmem:s13], [sflag:$0x7] =	stream.linear.gather @!p0 [hbm4b:s12+s11], $0x80, $0x38;
	[tilespmem:$0x1FF00] =	vst v63  }
0x45: {  	s13 =	simm.s32 @!p0 $0x7  }
0x46: {  	s19 =	smov.u32 s14;
	s14 =	smov.u32 s18;
	_ =	swait.ge @!p0 [sflag:s13], $0x80  }
0x47: {  	s18 =	smov.u32 s17;
	s15 =	smov.u32 s16;
	s12 =	sld [smem:$0x7FA]  }
0x48: {  	s16 =	simm.s32 @!p0 $0x0;
	s17 =	smov.u32 s18;
	[sflag:s13] =	ssyncset.done @!p0 $0x0  }
0x49: {  	s18 =	smov.u32 s14;
	s11 =	simm.s32 @!p0 $0x1FD80;
	[sflag:s13] =	ssyncadd.s32 @!p0 $0xFFFFFF80  }
0x4a: {  	[tilespmem:s11], [sflag:$0x7] =	stream.linear.gather @!p0 [hbm4b:s12+s16], $0x80, $0x38;
	[tilespmem:$0x1FF00] =	vst v63  }
0x4b: {  	s14 =	smov.u32 s19;
	s19 =	sld [smem:$0x7FC];
	_ =	swait.ge @!p0 [sflag:s13], $0x80  }
0x4c: {  	s16 =	smov.u32 s15;
	s12 =	simm.s32 @!p0 $0x1FC00;
	[sflag:s13] =	ssyncset.done @!p0 $0x0  }
0x4d: {  	s11 =	simm.s32 @!p0 $0x80;
	s15 =	simm.s32 @!p0 $0x13C00;
	[sflag:s13] =	ssyncadd.s32 @!p0 $0xFFFFFF80  }
0x4e: {  	[tilespmem:s15], [sflag:$0x7] =	stream.indirect.gather @!p0 [hbm4b:s1+s11], $0x80, s12, s11, $0xb8;
	[tilespmem:$0x1FF00] =	vst v63  }
0x4f: {  	_ =	swait.ge @!p0 [sflag:s13], $0x4000  }
0x50: {  	s15 =	simm.s32 @!p0 $0x13C00;
	[sflag:s13] =	ssyncset.done @!p0 $0x0  }
0x51: {  	s11 =	simm.s32 @!p0 $0x80;
	s12 =	simm.s32 @!p0 $0x1FD80;
	[sflag:s13] =	ssyncadd.s32 @!p0 $0xFFFFC000  }
0x52: {  	[spmem:s3] =	stream.indirect.scatter.add.f32 @!p0 [tilespmem:s15], [sflag:$0x7], $0x80, s12, s11, $0xb8;
	[tilespmem:$0x1FF00] =	vst v63  }
0x53: {  	s15 =	sld [smem:$0x7FD];
	_ =	swait.ge @!p0 [sflag:s13], $0x4000  }
0x54: {  	[sflag:s13] =	ssyncset.done @!p0 $0x0  }
0x55: {  	[sflag:s13] =	ssyncadd.s32 @!p0 $0xFFFFC000  }
0x56: {  	[bflag:$0x0] =	sbarrier.arrive $0xFFFF  }
0x57: {  	s13 =	sld [smem:$0x7F8]  }
0x58: {  	s12 =	rddreg [dreg:$0x7]  }
0x59: {  	s11 =	rddreg [dreg:$0xf]  }
0x5a: {  	[hbm:s11], [sflag:s12] =	dma.local [spmem:s13], $0x2780  }
0x5b: {  	_ =	swait.ge [sflag:s0], $0x2780  }
0x5c: {  	s11 =	sld [smem:$0x7F7];
	_ =	sdelay $0x2  }
0x5d: {  	s13 =	sadd.s32 $0x1, s11;
	s11 =	rddreg [dreg:$0x10]  }
0x5e: {  	p1 =	sne.s32 s13, s11  }
.Ltmp1:
0x5f: {  	_ = 	snop;
	(pc) =	sbr.rel @!p1 .LBB2_11-.Ltmp1, $3  }
0x60: {  	[sflag:s0] =	ssyncset.done $0x0  }
0x61: {  	[sflag:s0] =	ssyncadd.s32 $0xFFFFD880  }
0x62: {  	[bflag:$0x0] =	sbarrier.arrive $0xFFFF;
	_ =	sdelay $0x1  }
.LBB2_1:
0x63: {  	[smem:$0x7F7] =	sst s13  }
0x64: {  	s11 =	rddreg [dreg:$0x6]  }
0x65: {  	s13 =	sshrl.u32 s11, $0x3;
	s11 =	rddreg [dreg:$0x5]  }
0x66: {  	[smem:$0x7F8] =	sst s13  }
0x67: {  	[spmem:s13], [sflag:s12] =	dma.local [hbm:s11], $0x2780  }
0x68: {  	_ =	swait.ge [sflag:s0], $0x2780  }
0x69: {  	[sflag:s0] =	ssyncset.done $0x0  }
0x6a: {  	[sflag:s0] =	ssyncadd.s32 $0xFFFFD880  }
0x6b: {  	[bflag:$0x0] =	sbarrier.arrive $0xFFFF  }
0x6c: {  	s12 =	rddreg [dreg:$0x8]  }
0x6d: {  	[tilespmem:s2], [sflag:$0x7] =	stream.linear.gather [hbm4b:s12+s4], $0x80, $0x38;
	[tilespmem:$0x1FF00] =	vst v63  }
0x6e: {  	_ =	swait.ge [sflag:s0], $0x80  }
0x6f: {  	[sflag:s0] =	ssyncset.done $0x0  }
0x70: {  	s13 =	rddreg [dreg:$0x11];
	[sflag:s0] =	ssyncadd.s32 $0xFFFFFF80  }
0x71: {  	[tilespmem:s6], [sflag:$0x7] =	stream.linear.gather [hbm4b:s13+s4], $0x80, $0x38;
	[tilespmem:$0x1FF00] =	vst v63  }
0x72: {  	_ =	swait.ge [sflag:s0], $0x80  }
0x73: {  	[sflag:s0] =	ssyncset.done $0x0  }
0x74: {  	[sflag:s0] =	ssyncadd.s32 $0xFFFFFF80  }
0x75: {  	[tilespmem:s23], [sflag:$0x1] =	stream.indirect.gather [hbm4b:s1+s22], $0x80, s2, s22, $0xb8;
	[tilespmem:$0x1FF00] =	vst v63  }
0x76: {  	s12 =	rddreg [dreg:$0x12]  }
0x77: {  	[tilespmem:s24], [sflag:$0x7] =	stream.linear.gather [hbm4b:s12+s4], $0x80, $0x38;
	[tilespmem:$0x1FF00] =	vst v63  }
0x78: {  	_ =	swait.ge [sflag:s0], $0x80  }
0x79: {  	[sflag:s0] =	ssyncset.done $0x0  }
0x7a: {  	s13 =	rddreg [dreg:$0x13];
	[sflag:s0] =	ssyncadd.s32 $0xFFFFFF80  }
0x7b: {  	[tilespmem:s25], [sflag:$0x7] =	stream.linear.gather [hbm4b:s13+s4], $0x80, $0x38;
	[tilespmem:$0x1FF00] =	vst v63  }
0x7c: {  	_ =	swait.ge [sflag:s0], $0x80  }
0x7d: {  	[sflag:s0] =	ssyncset.done $0x0  }
0x7e: {  	s11 =	simm.s32 $0x0;
	[sflag:s0] =	ssyncadd.s32 $0xFFFFFF80  }
0x7f: {  	[tilespmem:s26], [sflag:$0x2] =	stream.indirect.gather [hbm4b:s1+s22], $0x80, s24, s22, $0xb8;
	[tilespmem:$0x1FF00] =	vst v63  }
.LBB2_2:
0x80: {  	_ =	swait.ge [sflag:s28], $0x4000  }
0x81: {  	p1 =	seq.s32 s11, $0x0;
	[sflag:s28] =	ssyncset.done $0x0  }
0x82: {  	s13 =	simm.s32 @!p1 $0x6;
	[sflag:s28] =	ssyncadd.s32 $0xFFFFC000  }
0x83: {  	[spmem:s3] =	stream.indirect.scatter.add.f32 [tilespmem:s23], [sflag:$0x4], $0x80, s6, s22, $0xb8;
	[tilespmem:$0x1FF00] =	vst v63  }
0x84: {  	_ =	swait.ge @!p1 [sflag:s13], $0x4000  }
0x85: {  	s12 =	sadd.s32 s11, s9;
	[sflag:s13] =	ssyncset.done @!p1 $0x0  }
0x86: {  	[sflag:s13] =	ssyncadd.s32 @!p1 $0xFFFFC000;
	s13 =	sadd.s32 $0x40, s12  }
0x87: {  	[tilespmem:s29], [sflag:$0x7] =	stream.linear.gather [hbm4b:s13+s4], $0x80, $0x38;
	[tilespmem:$0x1FF00] =	vst v63  }
0x88: {  	_ =	swait.ge [sflag:s0], $0x80  }
0x89: {  	[sflag:s0] =	ssyncset.done $0x0  }
0x8a: {  	s13 =	sadd.s32 $0x50, s12;
	[sflag:s0] =	ssyncadd.s32 $0xFFFFFF80  }
0x8b: {  	[tilespmem:s30], [sflag:$0x7] =	stream.linear.gather [hbm4b:s13+s4], $0x80, $0x38;
	[tilespmem:$0x1FF00] =	vst v63  }
0x8c: {  	_ =	swait.ge [sflag:s0], $0x80  }
0x8d: {  	[sflag:s0] =	ssyncset.done $0x0  }
0x8e: {  	p1 =	seq.s32 s11, $0x480;
	[sflag:s0] =	ssyncadd.s32 $0xFFFFFF80  }
0x8f: {  	[tilespmem:s31], [sflag:$0x3] =	stream.indirect.gather [hbm4b:s1+s22], $0x80, s29, s22, $0xb8;
	[tilespmem:$0x1FF00] =	vst v63  }
.Ltmp2:
0x90: {  	_ = 	snop;
	(pc) =	sbr.rel @p1 .LBB2_4-.Ltmp2, $4  }
0x91: {  	_ =	swait.ge [sflag:s8], $0x4000  }
0x92: {  	[sflag:s8] =	ssyncset.done $0x0  }
0x93: {  	[sflag:s8] =	ssyncadd.s32 $0xFFFFC000  }
0x94: {  	[spmem:s3] =	stream.indirect.scatter.add.f32 [tilespmem:s26], [sflag:$0x5], $0x80, s25, s22, $0xb8;
	[tilespmem:$0x1FF00] =	vst v63  }
0x95: {  	_ =	swait.ge [sflag:s7], $0x4000  }
0x96: {  	[sflag:s7] =	ssyncset.done $0x0  }
0x97: {  	s13 =	sadd.s32 $0x60, s12;
	[sflag:s7] =	ssyncadd.s32 $0xFFFFC000  }
0x98: {  	[tilespmem:s2], [sflag:$0x7] =	stream.linear.gather [hbm4b:s13+s4], $0x80, $0x38;
	[tilespmem:$0x1FF00] =	vst v63  }
0x99: {  	_ =	swait.ge [sflag:s0], $0x80  }
0x9a: {  	[sflag:s0] =	ssyncset.done $0x0  }
0x9b: {  	s13 =	sadd.s32 $0x70, s12;
	[sflag:s0] =	ssyncadd.s32 $0xFFFFFF80  }
0x9c: {  	[tilespmem:s6], [sflag:$0x7] =	stream.linear.gather [hbm4b:s13+s4], $0x80, $0x38;
	[tilespmem:$0x1FF00] =	vst v63  }
0x9d: {  	_ =	swait.ge [sflag:s0], $0x80  }
0x9e: {  	[sflag:s0] =	ssyncset.done $0x0  }
0x9f: {  	[sflag:s0] =	ssyncadd.s32 $0xFFFFFF80  }
0xa0: {  	[tilespmem:s23], [sflag:$0x1] =	stream.indirect.gather [hbm4b:s1+s22], $0x80, s2, s22, $0xb8;
	[tilespmem:$0x1FF00] =	vst v63  }
0xa1: {  	_ =	swait.ge [sflag:s5], $0x4000  }
0xa2: {  	[sflag:s5] =	ssyncset.done $0x0  }
0xa3: {  	[sflag:s5] =	ssyncadd.s32 $0xFFFFC000  }
0xa4: {  	[spmem:s3] =	stream.indirect.scatter.add.f32 [tilespmem:s31], [sflag:$0x6], $0x80, s30, s22, $0xb8;
	[tilespmem:$0x1FF00] =	vst v63  }
0xa5: {  	_ =	swait.ge [sflag:s10], $0x4000  }
0xa6: {  	[sflag:s10] =	ssyncset.done $0x0  }
0xa7: {  	s13 =	sadd.s32 $0x80, s12;
	[sflag:s10] =	ssyncadd.s32 $0xFFFFC000  }
0xa8: {  	[tilespmem:s24], [sflag:$0x7] =	stream.linear.gather [hbm4b:s13+s4], $0x80, $0x38;
	[tilespmem:$0x1FF00] =	vst v63  }
0xa9: {  	_ =	swait.ge [sflag:s0], $0x80  }
0xaa: {  	[sflag:s0] =	ssyncset.done $0x0  }
0xab: {  	s13 =	sadd.s32 $0x90, s12;
	[sflag:s0] =	ssyncadd.s32 $0xFFFFFF80  }
0xac: {  	[tilespmem:s25], [sflag:$0x7] =	stream.linear.gather [hbm4b:s13+s4], $0x80, $0x38;
	[tilespmem:$0x1FF00] =	vst v63  }
.Ltmp3:
0xad: {  	_ = 	snop;
	(pc) =	sbr.rel .LBB2_2-.Ltmp3, $4  }
0xae: {  	_ =	swait.ge [sflag:s0], $0x80  }
0xaf: {  	[sflag:s0] =	ssyncset.done $0x0  }
0xb0: {  	s11 =	sadd.s32 $0x60, s11;
	[sflag:s0] =	ssyncadd.s32 $0xFFFFFF80  }
0xb1: {  	[tilespmem:s26], [sflag:$0x2] =	stream.indirect.gather [hbm4b:s1+s22], $0x80, s24, s22, $0xb8;
	[tilespmem:$0x1FF00] =	vst v63  }
.LBB2_4:
0xb2: {  	_ =	swait.ge [sflag:s5], $0x4000  }
0xb3: {  	[sflag:s5] =	ssyncset.done $0x0  }
0xb4: {  	[sflag:s5] =	ssyncadd.s32 $0xFFFFC000  }
0xb5: {  	[spmem:s3] =	stream.indirect.scatter.add.f32 [tilespmem:s31], [sflag:$0x6], $0x80, s30, s22, $0xb8;
	[tilespmem:$0x1FF00] =	vst v63  }
0xb6: {  	_ =	swait.ge [sflag:s7], $0x4000  }
0xb7: {  	[sflag:s7] =	ssyncset.done $0x0  }
0xb8: {  	[sflag:s7] =	ssyncadd.s32 $0xFFFFC000  }
0xb9: {  	_ =	swait.ge [sflag:s10], $0x4000  }
0xba: {  	[sflag:s10] =	ssyncset.done $0x0  }
0xbb: {  	s11 =	simm.s32 $0x6;
	[sflag:s10] =	ssyncadd.s32 $0xFFFFC000  }
0xbc: {  	_ =	swait.ge [sflag:s11], $0x4000  }
0xbd: {  	s13 =	simm.s32 @!p0 $0x1FC00;
	[sflag:s11] =	ssyncset.done $0x0  }
0xbe: {  	s12 =	rddreg [dreg:$0x14];
	[sflag:s11] =	ssyncadd.s32 $0xFFFFC000;
	s11 =	simm.s32 @!p0 $0x0  }
0xbf: {  	[tilespmem:s13], [sflag:$0x7] =	stream.linear.gather @!p0 [hbm4b:s12+s11], $0x80, $0x38;
	[tilespmem:$0x1FF00] =	vst v63  }
0xc0: {  	s13 =	simm.s32 @!p0 $0x7  }
0xc1: {  	_ =	swait.ge @!p0 [sflag:s13], $0x80  }
0xc2: {  	s9 =	simm.s32 @!p0 $0x0;
	[sflag:s13] =	ssyncset.done @!p0 $0x0  }
0xc3: {  	s11 =	simm.s32 @!p0 $0x1FD80;
	s12 =	rddreg [dreg:$0x15];
	[sflag:s13] =	ssyncadd.s32 @!p0 $0xFFFFFF80  }
0xc4: {  	[tilespmem:s11], [sflag:$0x7] =	stream.linear.gather @!p0 [hbm4b:s12+s9], $0x80, $0x38;
	[tilespmem:$0x1FF00] =	vst v63  }
0xc5: {  	_ =	swait.ge @!p0 [sflag:s13], $0x80  }
0xc6: {  	s9 =	simm.s32 @!p0 $0x13C00;
	[sflag:s13] =	ssyncset.done @!p0 $0x0  }
0xc7: {  	s12 =	simm.s32 @!p0 $0x1FC00;
	s11 =	simm.s32 @!p0 $0x80;
	[sflag:s13] =	ssyncadd.s32 @!p0 $0xFFFFFF80  }
0xc8: {  	[tilespmem:s9], [sflag:$0x7] =	stream.indirect.gather @!p0 [hbm4b:s1+s11], $0x80, s12, s11, $0xb8;
	[tilespmem:$0x1FF00] =	vst v63  }
0xc9: {  	_ =	swait.ge @!p0 [sflag:s13], $0x4000  }
0xca: {  	[sflag:s13] =	ssyncset.done @!p0 $0x0  }
0xcb: {  	s11 =	simm.s32 @!p0 $0x80;
	s12 =	simm.s32 @!p0 $0x1FD80;
	[sflag:s13] =	ssyncadd.s32 @!p0 $0xFFFFC000  }
0xcc: {  	[spmem:s3] =	stream.indirect.scatter.add.f32 @!p0 [tilespmem:s9], [sflag:$0x7], $0x80, s12, s11, $0xb8;
	[tilespmem:$0x1FF00] =	vst v63  }
0xcd: {  	_ =	swait.ge @!p0 [sflag:s13], $0x4000  }
0xce: {  	[sflag:s13] =	ssyncset.done @!p0 $0x0  }
0xcf: {  	[sflag:s13] =	ssyncadd.s32 @!p0 $0xFFFFC000  }
0xd0: {  	[bflag:$0x0] =	sbarrier.arrive $0xFFFF  }
0xd1: {  	s13 =	sld [smem:$0x7F8]  }
0xd2: {  	s12 =	rddreg [dreg:$0x7]  }
0xd3: {  	s9 =	rddreg [dreg:$0xd]  }
0xd4: {  	[hbm:s9], [sflag:s12] =	dma.local [spmem:s13], $0x2780  }
0xd5: {  	_ =	swait.ge [sflag:s0], $0x2780  }
0xd6: {  	[sflag:s0] =	ssyncset.done $0x0  }
0xd7: {  	[sflag:s0] =	ssyncadd.s32 $0xFFFFD880  }
0xd8: {  	[bflag:$0x0] =	sbarrier.arrive $0xFFFF  }
0xd9: {  	s9 =	rddreg [dreg:$0x5]  }
0xda: {  	[spmem:s13], [sflag:s12] =	dma.local [hbm:s9], $0x2780  }
0xdb: {  	_ =	swait.ge [sflag:s0], $0x2780  }
0xdc: {  	[sflag:s0] =	ssyncset.done $0x0  }
0xdd: {  	[sflag:s0] =	ssyncadd.s32 $0xFFFFD880  }
0xde: {  	[bflag:$0x0] =	sbarrier.arrive $0xFFFF  }
0xdf: {  	s11 =	simm.s32 $0x0;
	s9 =	rddreg [dreg:$0x16]  }
0xe0: {  	[tilespmem:s2], [sflag:$0x7] =	stream.linear.gather [hbm4b:s9+s11], $0x80, $0x38;
	[tilespmem:$0x1FF00] =	vst v63  }
0xe1: {  	_ =	swait.ge [sflag:s0], $0x80  }
0xe2: {  	[sflag:s0] =	ssyncset.done $0x0  }
0xe3: {  	s13 =	rddreg [dreg:$0x17];
	[sflag:s0] =	ssyncadd.s32 $0xFFFFFF80  }
0xe4: {  	[tilespmem:s6], [sflag:$0x7] =	stream.linear.gather [hbm4b:s13+s11], $0x80, $0x38;
	[tilespmem:$0x1FF00] =	vst v63  }
0xe5: {  	_ =	swait.ge [sflag:s0], $0x80  }
0xe6: {  	[sflag:s0] =	ssyncset.done $0x0  }
0xe7: {  	[sflag:s0] =	ssyncadd.s32 $0xFFFFFF80  }
0xe8: {  	[tilespmem:s23], [sflag:$0x1] =	stream.indirect.gather [hbm4b:s1+s22], $0x80, s2, s22, $0xb8;
	[tilespmem:$0x1FF00] =	vst v63  }
0xe9: {  	s9 =	rddreg [dreg:$0x18]  }
0xea: {  	[tilespmem:s24], [sflag:$0x7] =	stream.linear.gather [hbm4b:s9+s11], $0x80, $0x38;
	[tilespmem:$0x1FF00] =	vst v63  }
0xeb: {  	_ =	swait.ge [sflag:s0], $0x80  }
0xec: {  	[sflag:s0] =	ssyncset.done $0x0  }
0xed: {  	s13 =	rddreg [dreg:$0x19];
	[sflag:s0] =	ssyncadd.s32 $0xFFFFFF80  }
0xee: {  	[tilespmem:s25], [sflag:$0x7] =	stream.linear.gather [hbm4b:s13+s11], $0x80, $0x38;
	[tilespmem:$0x1FF00] =	vst v63  }
0xef: {  	_ =	swait.ge [sflag:s0], $0x80  }
0xf0: {  	[sflag:s0] =	ssyncset.done $0x0  }
0xf1: {  	s13 =	rddreg [dreg:$0x9];
	[sflag:s0] =	ssyncadd.s32 $0xFFFFFF80  }
0xf2: {  	[tilespmem:s26], [sflag:$0x2] =	stream.indirect.gather [hbm4b:s1+s22], $0x80, s24, s22, $0xb8;
	[tilespmem:$0x1FF00] =	vst v63  }
.LBB2_5:
0xf3: {  	_ =	swait.ge [sflag:s28], $0x4000  }
0xf4: {  	p1 =	seq.s32 s11, $0x0;
	[sflag:s28] =	ssyncset.done $0x0  }
0xf5: {  	s12 =	simm.s32 @!p1 $0x6;
	[sflag:s28] =	ssyncadd.s32 $0xFFFFC000  }
0xf6: {  	[spmem:s3] =	stream.indirect.scatter.add.f32 [tilespmem:s23], [sflag:$0x4], $0x80, s6, s22, $0xb8;
	[tilespmem:$0x1FF00] =	vst v63  }
0xf7: {  	_ =	swait.ge @!p1 [sflag:s12], $0x4000  }
0xf8: {  	[sflag:s12] =	ssyncset.done @!p1 $0x0  }
0xf9: {  	s9 =	sadd.s32 s11, s14;
	[sflag:s12] =	ssyncadd.s32 @!p1 $0xFFFFC000  }
0xfa: {  	[tilespmem:s29], [sflag:$0x7] =	stream.linear.gather [hbm4b:s9+s4], $0x80, $0x38;
	[tilespmem:$0x1FF00] =	vst v63  }
0xfb: {  	_ =	swait.ge [sflag:s0], $0x80  }
0xfc: {  	[sflag:s0] =	ssyncset.done $0x0  }
0xfd: {  	s9 =	sadd.s32 s11, s15;
	[sflag:s0] =	ssyncadd.s32 $0xFFFFFF80  }
0xfe: {  	[tilespmem:s30], [sflag:$0x7] =	stream.linear.gather [hbm4b:s9+s4], $0x80, $0x38;
	[tilespmem:$0x1FF00] =	vst v63  }
0xff: {  	_ =	swait.ge [sflag:s0], $0x80  }
0x100: {  	[sflag:s0] =	ssyncset.done $0x0  }
0x101: {  	p1 =	seq.s32 s11, $0x480;
	[sflag:s0] =	ssyncadd.s32 $0xFFFFFF80  }
0x102: {  	[tilespmem:s31], [sflag:$0x3] =	stream.indirect.gather [hbm4b:s1+s22], $0x80, s29, s22, $0xb8;
	[tilespmem:$0x1FF00] =	vst v63  }
.Ltmp4:
0x103: {  	_ = 	snop;
	(pc) =	sbr.rel @p1 .LBB2_7-.Ltmp4, $4  }
0x104: {  	_ =	swait.ge [sflag:s8], $0x4000  }
0x105: {  	[sflag:s8] =	ssyncset.done $0x0  }
0x106: {  	[sflag:s8] =	ssyncadd.s32 $0xFFFFC000  }
0x107: {  	[spmem:s3] =	stream.indirect.scatter.add.f32 [tilespmem:s26], [sflag:$0x5], $0x80, s25, s22, $0xb8;
	[tilespmem:$0x1FF00] =	vst v63  }
0x108: {  	_ =	swait.ge [sflag:s7], $0x4000  }
0x109: {  	[sflag:s7] =	ssyncset.done $0x0;
	s12 =	rddreg [dreg:$0xb]  }
0x10a: {  	[sflag:s7] =	ssyncadd.s32 $0xFFFFC000;
	s12 =	sadd.s32 s11, s12  }
0x10b: {  	[tilespmem:s2], [sflag:$0x7] =	stream.linear.gather [hbm4b:s12+s4], $0x80, $0x38;
	[tilespmem:$0x1FF00] =	vst v63  }
0x10c: {  	_ =	swait.ge [sflag:s0], $0x80  }
0x10d: {  	[sflag:s0] =	ssyncset.done $0x0;
	s9 =	rddreg [dreg:$0xc]  }
0x10e: {  	[sflag:s0] =	ssyncadd.s32 $0xFFFFFF80;
	s12 =	sadd.s32 s11, s9  }
0x10f: {  	[tilespmem:s6], [sflag:$0x7] =	stream.linear.gather [hbm4b:s12+s4], $0x80, $0x38;
	[tilespmem:$0x1FF00] =	vst v63  }
0x110: {  	_ =	swait.ge [sflag:s0], $0x80  }
0x111: {  	[sflag:s0] =	ssyncset.done $0x0  }
0x112: {  	[sflag:s0] =	ssyncadd.s32 $0xFFFFFF80  }
0x113: {  	[tilespmem:s23], [sflag:$0x1] =	stream.indirect.gather [hbm4b:s1+s22], $0x80, s2, s22, $0xb8;
	[tilespmem:$0x1FF00] =	vst v63  }
0x114: {  	_ =	swait.ge [sflag:s5], $0x4000  }
0x115: {  	[sflag:s5] =	ssyncset.done $0x0  }
0x116: {  	[sflag:s5] =	ssyncadd.s32 $0xFFFFC000  }
0x117: {  	[spmem:s3] =	stream.indirect.scatter.add.f32 [tilespmem:s31], [sflag:$0x6], $0x80, s30, s22, $0xb8;
	[tilespmem:$0x1FF00] =	vst v63  }
0x118: {  	_ =	swait.ge [sflag:s10], $0x4000  }
0x119: {  	[sflag:s10] =	ssyncset.done $0x0  }
0x11a: {  	s9 =	sadd.s32 s11, s13;
	[sflag:s10] =	ssyncadd.s32 $0xFFFFC000  }
0x11b: {  	[tilespmem:s24], [sflag:$0x7] =	stream.linear.gather [hbm4b:s9+s4], $0x80, $0x38;
	[tilespmem:$0x1FF00] =	vst v63  }
0x11c: {  	_ =	swait.ge [sflag:s0], $0x80  }
0x11d: {  	[sflag:s0] =	ssyncset.done $0x0;
	s9 =	rddreg [dreg:$0xa]  }
0x11e: {  	[sflag:s0] =	ssyncadd.s32 $0xFFFFFF80;
	s12 =	sadd.s32 s11, s9  }
0x11f: {  	[tilespmem:s25], [sflag:$0x7] =	stream.linear.gather [hbm4b:s12+s4], $0x80, $0x38;
	[tilespmem:$0x1FF00] =	vst v63  }
.Ltmp5:
0x120: {  	_ = 	snop;
	(pc) =	sbr.rel .LBB2_5-.Ltmp5, $4  }
0x121: {  	_ =	swait.ge [sflag:s0], $0x80  }
0x122: {  	[sflag:s0] =	ssyncset.done $0x0  }
0x123: {  	s11 =	sadd.s32 $0x60, s11;
	[sflag:s0] =	ssyncadd.s32 $0xFFFFFF80  }
0x124: {  	[tilespmem:s26], [sflag:$0x2] =	stream.indirect.gather [hbm4b:s1+s22], $0x80, s24, s22, $0xb8;
	[tilespmem:$0x1FF00] =	vst v63  }
.LBB2_7:
0x125: {  	_ =	swait.ge [sflag:s5], $0x4000  }
0x126: {  	[sflag:s5] =	ssyncset.done $0x0  }
0x127: {  	[sflag:s5] =	ssyncadd.s32 $0xFFFFC000  }
0x128: {  	[spmem:s3] =	stream.indirect.scatter.add.f32 [tilespmem:s31], [sflag:$0x6], $0x80, s30, s22, $0xb8;
	[tilespmem:$0x1FF00] =	vst v63  }
0x129: {  	_ =	swait.ge [sflag:s7], $0x4000  }
0x12a: {  	[sflag:s7] =	ssyncset.done $0x0  }
0x12b: {  	[sflag:s7] =	ssyncadd.s32 $0xFFFFC000  }
0x12c: {  	_ =	swait.ge [sflag:s10], $0x4000  }
0x12d: {  	[sflag:s10] =	ssyncset.done $0x0  }
0x12e: {  	s11 =	simm.s32 $0x6;
	[sflag:s10] =	ssyncadd.s32 $0xFFFFC000  }
0x12f: {  	_ =	swait.ge [sflag:s11], $0x4000  }
0x130: {  	s13 =	simm.s32 @!p0 $0x1FC00;
	[sflag:s11] =	ssyncset.done $0x0  }
0x131: {  	s12 =	rddreg [dreg:$0x1a];
	[sflag:s11] =	ssyncadd.s32 $0xFFFFC000;
	s11 =	simm.s32 @!p0 $0x0  }
0x132: {  	[tilespmem:s13], [sflag:$0x7] =	stream.linear.gather @!p0 [hbm4b:s12+s11], $0x80, $0x38;
	[tilespmem:$0x1FF00] =	vst v63  }
0x133: {  	s13 =	simm.s32 @!p0 $0x7  }
0x134: {  	_ =	swait.ge @!p0 [sflag:s13], $0x80  }
0x135: {  	s9 =	simm.s32 @!p0 $0x0;
	[sflag:s13] =	ssyncset.done @!p0 $0x0  }
0x136: {  	s11 =	simm.s32 @!p0 $0x1FD80;
	s12 =	rddreg [dreg:$0x1b];
	[sflag:s13] =	ssyncadd.s32 @!p0 $0xFFFFFF80  }
0x137: {  	[tilespmem:s11], [sflag:$0x7] =	stream.linear.gather @!p0 [hbm4b:s12+s9], $0x80, $0x38;
	[tilespmem:$0x1FF00] =	vst v63  }
0x138: {  	_ =	swait.ge @!p0 [sflag:s13], $0x80  }
0x139: {  	s9 =	simm.s32 @!p0 $0x13C00;
	[sflag:s13] =	ssyncset.done @!p0 $0x0  }
0x13a: {  	s12 =	simm.s32 @!p0 $0x1FC00;
	s11 =	simm.s32 @!p0 $0x80;
	[sflag:s13] =	ssyncadd.s32 @!p0 $0xFFFFFF80  }
0x13b: {  	[tilespmem:s9], [sflag:$0x7] =	stream.indirect.gather @!p0 [hbm4b:s1+s11], $0x80, s12, s11, $0xb8;
	[tilespmem:$0x1FF00] =	vst v63  }
0x13c: {  	_ =	swait.ge @!p0 [sflag:s13], $0x4000  }
0x13d: {  	[sflag:s13] =	ssyncset.done @!p0 $0x0  }
0x13e: {  	s11 =	simm.s32 @!p0 $0x80;
	s12 =	simm.s32 @!p0 $0x1FD80;
	[sflag:s13] =	ssyncadd.s32 @!p0 $0xFFFFC000  }
0x13f: {  	[spmem:s3] =	stream.indirect.scatter.add.f32 @!p0 [tilespmem:s9], [sflag:$0x7], $0x80, s12, s11, $0xb8;
	[tilespmem:$0x1FF00] =	vst v63  }
0x140: {  	_ =	swait.ge @!p0 [sflag:s13], $0x4000  }
0x141: {  	[sflag:s13] =	ssyncset.done @!p0 $0x0  }
0x142: {  	[sflag:s13] =	ssyncadd.s32 @!p0 $0xFFFFC000  }
0x143: {  	[bflag:$0x0] =	sbarrier.arrive $0xFFFF  }
0x144: {  	s15 =	sld [smem:$0x7F8]  }
0x145: {  	s12 =	rddreg [dreg:$0x7]  }
0x146: {  	s13 =	rddreg [dreg:$0xe]  }
0x147: {  	[hbm:s13], [sflag:s12] =	dma.local [spmem:s15], $0x2780  }
0x148: {  	_ =	swait.ge [sflag:s0], $0x2780  }
0x149: {  	[sflag:s0] =	ssyncset.done $0x0  }
0x14a: {  	[sflag:s0] =	ssyncadd.s32 $0xFFFFD880  }
0x14b: {  	[bflag:$0x0] =	sbarrier.arrive $0xFFFF  }
0x14c: {  	s9 =	rddreg [dreg:$0x5]  }
0x14d: {  	[spmem:s15], [sflag:s12] =	dma.local [hbm:s9], $0x2780  }
0x14e: {  	_ =	swait.ge [sflag:s0], $0x2780  }
0x14f: {  	[sflag:s0] =	ssyncset.done $0x0  }
0x150: {  	[sflag:s0] =	ssyncadd.s32 $0xFFFFD880  }
0x151: {  	[bflag:$0x0] =	sbarrier.arrive $0xFFFF  }
0x152: {  	s11 =	simm.s32 $0x0;
	s15 =	rddreg [dreg:$0x1c]  }
0x153: {  	[tilespmem:s2], [sflag:$0x7] =	stream.linear.gather [hbm4b:s15+s11], $0x80, $0x38;
	[tilespmem:$0x1FF00] =	vst v63  }
0x154: {  	_ =	swait.ge [sflag:s0], $0x80  }
0x155: {  	[sflag:s0] =	ssyncset.done $0x0  }
0x156: {  	s9 =	rddreg [dreg:$0x1d];
	[sflag:s0] =	ssyncadd.s32 $0xFFFFFF80  }
0x157: {  	[tilespmem:s6], [sflag:$0x7] =	stream.linear.gather [hbm4b:s9+s11], $0x80, $0x38;
	[tilespmem:$0x1FF00] =	vst v63  }
0x158: {  	_ =	swait.ge [sflag:s0], $0x80  }
0x159: {  	[sflag:s0] =	ssyncset.done $0x0  }
0x15a: {  	[sflag:s0] =	ssyncadd.s32 $0xFFFFFF80  }
0x15b: {  	[tilespmem:s23], [sflag:$0x1] =	stream.indirect.gather [hbm4b:s1+s22], $0x80, s2, s22, $0xb8;
	[tilespmem:$0x1FF00] =	vst v63  }
0x15c: {  	s13 =	rddreg [dreg:$0x1e]  }
0x15d: {  	[tilespmem:s24], [sflag:$0x7] =	stream.linear.gather [hbm4b:s13+s11], $0x80, $0x38;
	[tilespmem:$0x1FF00] =	vst v63  }
0x15e: {  	_ =	swait.ge [sflag:s0], $0x80  }
0x15f: {  	[sflag:s0] =	ssyncset.done $0x0  }
0x160: {  	s15 =	rddreg [dreg:$0x1f];
	[sflag:s0] =	ssyncadd.s32 $0xFFFFFF80  }
0x161: {  	[tilespmem:s25], [sflag:$0x7] =	stream.linear.gather [hbm4b:s15+s11], $0x80, $0x38;
	[tilespmem:$0x1FF00] =	vst v63  }
0x162: {  	_ =	swait.ge [sflag:s0], $0x80  }
0x163: {  	[sflag:s0] =	ssyncset.done $0x0  }
0x164: {  	s9 =	sld [smem:$0x7FB];
	[sflag:s0] =	ssyncadd.s32 $0xFFFFFF80  }
0x165: {  	[tilespmem:s26], [sflag:$0x2] =	stream.indirect.gather [hbm4b:s1+s22], $0x80, s24, s22, $0xb8;
	[tilespmem:$0x1FF00] =	vst v63  }
.LBB2_8:
0x166: {  	_ =	swait.ge [sflag:s28], $0x4000  }
0x167: {  	p1 =	seq.s32 s11, $0x0;
	[sflag:s28] =	ssyncset.done $0x0  }
0x168: {  	s12 =	simm.s32 @!p1 $0x6;
	[sflag:s28] =	ssyncadd.s32 $0xFFFFC000  }
0x169: {  	[spmem:s3] =	stream.indirect.scatter.add.f32 [tilespmem:s23], [sflag:$0x4], $0x80, s6, s22, $0xb8;
	[tilespmem:$0x1FF00] =	vst v63  }
0x16a: {  	_ =	swait.ge @!p1 [sflag:s12], $0x4000  }
0x16b: {  	[sflag:s12] =	ssyncset.done @!p1 $0x0  }
0x16c: {  	s13 =	sadd.s32 s11, s20;
	[sflag:s12] =	ssyncadd.s32 @!p1 $0xFFFFC000  }
0x16d: {  	[tilespmem:s29], [sflag:$0x7] =	stream.linear.gather [hbm4b:s13+s4], $0x80, $0x38;
	[tilespmem:$0x1FF00] =	vst v63  }
0x16e: {  	_ =	swait.ge [sflag:s0], $0x80  }
0x16f: {  	[sflag:s0] =	ssyncset.done $0x0  }
0x170: {  	s15 =	sadd.s32 s11, s21;
	[sflag:s0] =	ssyncadd.s32 $0xFFFFFF80  }
0x171: {  	[tilespmem:s30], [sflag:$0x7] =	stream.linear.gather [hbm4b:s15+s4], $0x80, $0x38;
	[tilespmem:$0x1FF00] =	vst v63  }
0x172: {  	_ =	swait.ge [sflag:s0], $0x80  }
0x173: {  	[sflag:s0] =	ssyncset.done $0x0  }
0x174: {  	p1 =	seq.s32 s11, $0x480;
	[sflag:s0] =	ssyncadd.s32 $0xFFFFFF80  }
0x175: {  	[tilespmem:s31], [sflag:$0x3] =	stream.indirect.gather [hbm4b:s1+s22], $0x80, s29, s22, $0xb8;
	[tilespmem:$0x1FF00] =	vst v63  }
.Ltmp6:
0x176: {  	_ = 	snop;
	(pc) =	sbr.rel @p1 .LBB2_10-.Ltmp6, $4  }
0x177: {  	_ =	swait.ge [sflag:s8], $0x4000  }
0x178: {  	[sflag:s8] =	ssyncset.done $0x0  }
0x179: {  	[sflag:s8] =	ssyncadd.s32 $0xFFFFC000  }
0x17a: {  	[spmem:s3] =	stream.indirect.scatter.add.f32 [tilespmem:s26], [sflag:$0x5], $0x80, s25, s22, $0xb8;
	[tilespmem:$0x1FF00] =	vst v63  }
0x17b: {  	_ =	swait.ge [sflag:s7], $0x4000  }
0x17c: {  	[sflag:s7] =	ssyncset.done $0x0  }
0x17d: {  	s12 =	sadd.s32 s11, s18;
	[sflag:s7] =	ssyncadd.s32 $0xFFFFC000  }
0x17e: {  	[tilespmem:s2], [sflag:$0x7] =	stream.linear.gather [hbm4b:s12+s4], $0x80, $0x38;
	[tilespmem:$0x1FF00] =	vst v63  }
0x17f: {  	_ =	swait.ge [sflag:s0], $0x80  }
0x180: {  	[sflag:s0] =	ssyncset.done $0x0  }
0x181: {  	s15 =	sadd.s32 s11, s19;
	[sflag:s0] =	ssyncadd.s32 $0xFFFFFF80  }
0x182: {  	[tilespmem:s6], [sflag:$0x7] =	stream.linear.gather [hbm4b:s15+s4], $0x80, $0x38;
	[tilespmem:$0x1FF00] =	vst v63  }
0x183: {  	_ =	swait.ge [sflag:s0], $0x80  }
0x184: {  	[sflag:s0] =	ssyncset.done $0x0  }
0x185: {  	[sflag:s0] =	ssyncadd.s32 $0xFFFFFF80  }
0x186: {  	[tilespmem:s23], [sflag:$0x1] =	stream.indirect.gather [hbm4b:s1+s22], $0x80, s2, s22, $0xb8;
	[tilespmem:$0x1FF00] =	vst v63  }
0x187: {  	_ =	swait.ge [sflag:s5], $0x4000  }
0x188: {  	[sflag:s5] =	ssyncset.done $0x0  }
0x189: {  	[sflag:s5] =	ssyncadd.s32 $0xFFFFC000  }
0x18a: {  	[spmem:s3] =	stream.indirect.scatter.add.f32 [tilespmem:s31], [sflag:$0x6], $0x80, s30, s22, $0xb8;
	[tilespmem:$0x1FF00] =	vst v63  }
0x18b: {  	_ =	swait.ge [sflag:s10], $0x4000  }
0x18c: {  	[sflag:s10] =	ssyncset.done $0x0  }
0x18d: {  	s13 =	sadd.s32 s11, s16;
	[sflag:s10] =	ssyncadd.s32 $0xFFFFC000  }
0x18e: {  	[tilespmem:s24], [sflag:$0x7] =	stream.linear.gather [hbm4b:s13+s4], $0x80, $0x38;
	[tilespmem:$0x1FF00] =	vst v63  }
0x18f: {  	_ =	swait.ge [sflag:s0], $0x80  }
0x190: {  	[sflag:s0] =	ssyncset.done $0x0  }
0x191: {  	s15 =	sadd.s32 s11, s17;
	[sflag:s0] =	ssyncadd.s32 $0xFFFFFF80  }
0x192: {  	[tilespmem:s25], [sflag:$0x7] =	stream.linear.gather [hbm4b:s15+s4], $0x80, $0x38;
	[tilespmem:$0x1FF00] =	vst v63  }
.Ltmp7:
0x193: {  	_ = 	snop;
	(pc) =	sbr.rel .LBB2_8-.Ltmp7, $4  }
0x194: {  	_ =	swait.ge [sflag:s0], $0x80  }
0x195: {  	[sflag:s0] =	ssyncset.done $0x0  }
0x196: {  	s11 =	sadd.s32 $0x60, s11;
	[sflag:s0] =	ssyncadd.s32 $0xFFFFFF80  }
0x197: {  	[tilespmem:s26], [sflag:$0x2] =	stream.indirect.gather [hbm4b:s1+s22], $0x80, s24, s22, $0xb8;
	[tilespmem:$0x1FF00] =	vst v63  }
.LBB2_11:
0x198: {  	_ =	sfence.sel $0x180000  }
0x199: {  	[bflag:$0x0] =	sbarrier.arrive $0xFFFF  }
0x19a: {  	_ =	strace $0x90000047  }
0x19b: {  	s0 =	stileid.u32;
	[bflag:$0x2] =	sbarrier.arrive $0xFFFF  }
0x19c: {  	p0 =	sne.s32 s0, $0x0;
	s0 =	rddreg [dreg:$0x4]  }
0x19d: {  	s0 =	sadd.s32 @!p0 $0x100000, s0  }
0x19e: {  	[sflag:s0] =	ssyncadd.tile.s32 @!p0 $0x1;
	_ =	shalt  }
.Lfunc_end2:
_tile_overlayer_lowered:
.L_overlay_start_2:
0x19f: {  	(tag) =	ssettag $0x2  }
0x1a0: {  	s0 =	rddreg [dreg:$0x0];
	s2 =	stileid.u32  }
0x1a1: {  	s1 =	rddreg [dreg:$0x1];
	p0 =	sne.s32 s2, $0x0  }
0x1a2: {  	s3 =	rddreg [dreg:$0x2];
	[bflag:$0x3] =	sbarrier.arrive $0xFFFF;
	s2 =	simm.s32 @!p0 $0x1C07  }
0x1a3: {  	[timem:s3], [sflag:s2] =	dma.local @!p0 [hbm:s0], s1  }
0x1a4: {  	s0 =	simm.s32 @!p0 $0x7  }
0x1a5: {  	_ =	swait.ge @!p0 [sflag:s0], s1  }
0x1a6: {  	s1 =	ssub.s32 @!p0 $0x0, s1;
	[sflag:s0] =	ssyncset.done @!p0 $0x0  }
0x1a7: {  	[sflag:s0] =	ssyncadd.s32 @!p0 s1  }
0x1a8: {  	[bflag:$0x3] =	sbarrier.arrive $0xFFFF  }
0x1a9: {  	_ =	shalt  }

</sc_bundles>
